<compile_context>
chip_gen: v7x
topology: tpu7x:2x2x1
jax: 0.10.2.dev20260603
libtpu: 0.0.44.dev20260713+nightly
codegen_flags: <defaults>
</compile_context>

<pallas_src>
import jax
import jax.numpy as jnp
from jax import lax
from jax.experimental import pallas as pl
from jax.experimental.pallas import tpu as pltpu

_LOG2 = 0.6931471805599453

_G = 2


def _ssp(x):
    return jnp.maximum(x, 0.0) + jnp.log(1.0 + jnp.exp(-jnp.abs(x))) - _LOG2


def _ssp_fast(x):
    return jnp.log(1.0 + jnp.exp(x)) - _LOG2


def _mlp(layers, x, act=_ssp):
    for W, b in layers:
        x = act(jnp.dot(x, W, preferred_element_type=jnp.float32) + b)
    return x


def _flatten_params(params):
    names = ['pre_e_che', 'pre_e_vdw', 'pre_v', 'pre_u',
             'phi_e_che', 'phi_e_vdw', 'phi_v_che', 'phi_v_vdw',
             'phi_u_che', 'phi_u_vdw']
    arrs, counts = [], {}
    for nm in names:
        layers = params[nm]
        counts[nm] = len(layers)
        for (W, b) in layers:
            arrs.append(W)
            arrs.append(b.reshape(1, -1))
    return names, arrs, counts


def kernel(nodes, state, che_edges, vdw_edges, che_index, vdw_index,
           che_edge_index, vdw_edge_index, node_index, num_atoms,
           che_num_pairs, vdw_num_pairs, params):
    N, H = nodes.shape
    B = state.shape[0]
    APG = N // B
    E_CHE = che_edges.shape[0]
    E_VDW = vdw_edges.shape[0]
    ECPG = E_CHE // B
    EVPG = E_VDW // B

    G = _G if B % _G == 0 else 1
    GA = G * APG
    GEC = G * ECPG
    GEV = G * EVPG

    names, warrs, counts = _flatten_params(params)

    nodes_b = nodes.reshape(B, APG, H)
    state_b = state.reshape(B, 1, H)
    che_b = che_edges.reshape(B, ECPG, H)
    vdw_b = vdw_edges.reshape(B, EVPG, H)
    chei_b = che_index.reshape(B, ECPG, 2)
    vdwi_b = vdw_index.reshape(B, EVPG, 2)

    def body(*refs):
        (nodes_ref, state_ref, che_ref, vdw_ref, chei_ref, vdwi_ref), rest = \
            refs[:6], refs[6:]
        nw = len(warrs)
        wrefs, outs = rest[:nw], rest[nw:]
        eche_o, evdw_o, v_o, u_o = outs

        layers = {}
        k = 0
        for nm in names:
            ls = []
            for _ in range(counts[nm]):
                ls.append((wrefs[k][...], wrefs[k + 1][...]))
                k += 2
            layers[nm] = ls

        pid = pl.program_id(0)
        base = pid * GA

        v_in = nodes_ref[...].reshape(GA, H)
        u_in = state_ref[...].reshape(G, H)
        eche_in = che_ref[...].reshape(GEC, H)
        evdw_in = vdw_ref[...].reshape(GEV, H)

        v = _mlp(layers['pre_v'], v_in, _ssp_fast)
        u = _mlp(layers['pre_u'], u_in, _ssp_fast)
        e_che = _mlp(layers['pre_e_che'], eche_in, _ssp_fast)
        e_vdw = _mlp(layers['pre_e_vdw'], evdw_in, _ssp_fast)

        u_pernode = jnp.broadcast_to(u[:, None, :], (G, APG, H)).reshape(GA, H)

        def half(e, idx_ref, EPG, GE, phi_e, phi_v, phi_u):
            idxl = idx_ref[...] - base
            iota3 = lax.broadcasted_iota(jnp.int32, (G, EPG, GA), 2)
            ohg0 = (idxl[:, :, 0:1] == iota3).astype(jnp.float32).reshape(GE, GA)
            ohg1 = (idxl[:, :, 1:2] == iota3).astype(jnp.float32).reshape(GE, GA)
            center = jnp.dot(ohg0, v, preferred_element_type=jnp.float32)
            nbr = jnp.dot(ohg1, v, preferred_element_type=jnp.float32)
            u_e = jnp.broadcast_to(u[:, None, :], (G, EPG, H)).reshape(GE, H)
            e_p = _mlp(phi_e, jnp.concatenate([center, e, nbr, u_e], axis=-1), _ssp_fast)
            row0 = idxl[:, :, 0].reshape(1, GE)
            ohs0 = (lax.broadcasted_iota(jnp.int32, (GA, GE), 0) == row0
                    ).astype(jnp.float32)
            e_v = jnp.dot(ohs0, e_p, preferred_element_type=jnp.float32)
            v_p = _mlp(phi_v, jnp.concatenate([e_v, v, u_pernode], axis=-1), _ssp_fast)
            e_u = jnp.sum(e_p.reshape(G, EPG, H), axis=1)
            v_u = jnp.sum(v_p.reshape(G, APG, H), axis=1)
            u_p = _mlp(phi_u, jnp.concatenate([e_u, v_u, u], axis=-1))
            return e_p, v_p, u_p

        che_e_p, che_v_p, che_u_p = half(
            e_che, chei_ref, ECPG, GEC,
            layers['phi_e_che'], layers['phi_v_che'], layers['phi_u_che'])
        vdw_e_p, vdw_v_p, vdw_u_p = half(
            e_vdw, vdwi_ref, EVPG, GEV,
            layers['phi_e_vdw'], layers['phi_v_vdw'], layers['phi_u_vdw'])

        eche_o[...] = (eche_in + che_e_p).reshape(G, ECPG, H)
        evdw_o[...] = (evdw_in + vdw_e_p).reshape(G, EVPG, H)
        v_o[...] = (v_in + che_v_p + vdw_v_p).reshape(G, APG, H)
        u_o[...] = (u_in + che_u_p + vdw_u_p).reshape(G, 1, H)

    grid = (B // G,)

    def blk(shape):
        nd = len(shape)
        return pl.BlockSpec((G,) + shape[1:], lambda i: (i,) + (0,) * (nd - 1))

    def full(shape):
        nd = len(shape)
        return pl.BlockSpec(shape, lambda i: (0,) * nd)

    in_specs = [
        blk(nodes_b.shape), blk(state_b.shape), blk(che_b.shape),
        blk(vdw_b.shape), blk(chei_b.shape), blk(vdwi_b.shape),
    ] + [full(w.shape) for w in warrs]

    out_shape = (
        jax.ShapeDtypeStruct((B, ECPG, H), jnp.float32),
        jax.ShapeDtypeStruct((B, EVPG, H), jnp.float32),
        jax.ShapeDtypeStruct((B, APG, H), jnp.float32),
        jax.ShapeDtypeStruct((B, 1, H), jnp.float32),
    )
    out_specs = (
        blk((B, ECPG, H)), blk((B, EVPG, H)), blk((B, APG, H)), blk((B, 1, H)),
    )

    eche_o, evdw_o, v_o, u_o = pl.pallas_call(
        body,
        grid=grid,
        in_specs=in_specs,
        out_specs=out_specs,
        out_shape=out_shape,
        compiler_params=pltpu.CompilerParams(
            dimension_semantics=("arbitrary",),
        ),
    )(nodes_b, state_b, che_b, vdw_b, chei_b, vdwi_b, *warrs)

    return (eche_o.reshape(E_CHE, H), evdw_o.reshape(E_VDW, H),
            v_o.reshape(N, H), u_o.reshape(B, H))

# --- scband reference (transcript-rebuilt; emitter-appended) ---
"""Pipeline reference for scband-model-76879914598800 (READ-ONLY COPY).

The authoritative reference and input builder live on the scoring server;
editing this copy changes nothing except your own understanding.
"""

import jax, jax.numpy as jnp
import numpy as np

H = 32
N = 50000
B = 500
APG = N // B
E_CHE = 800000
E_VDW = 400000
EC_PG = E_CHE // B
EV_PG = E_VDW // B


def shifted_softplus(x):
    return jax.nn.softplus(x) - jnp.log(2.0)


def mlp(params, x):
    for W, b in params:
        x = shifted_softplus(x @ W + b)
    return x


def make_mlp(key, dims):
    layers = []
    for i in range(len(dims) - 1):
        key, k1 = jax.random.split(key)
        W = jax.random.normal(k1, (dims[i], dims[i + 1]), dtype=jnp.float32) * (1.0 / np.sqrt(dims[i]))
        b = jnp.zeros((dims[i + 1],), dtype=jnp.float32)
        layers.append((W, b))
    return layers


def make_params(key):
    ks = jax.random.split(key, 10)
    return {
        'pre_e_che': make_mlp(ks[0], [H, 2 * H, H]),
        'pre_e_vdw': make_mlp(ks[1], [H, 2 * H, H]),
        'pre_v': make_mlp(ks[2], [H, 2 * H, H]),
        'pre_u': make_mlp(ks[3], [H, 2 * H, H]),
        'phi_e_che': make_mlp(ks[4], [4 * H, 2 * H, 2 * H, H]),
        'phi_e_vdw': make_mlp(ks[5], [4 * H, 2 * H, 2 * H, H]),
        'phi_v_che': make_mlp(ks[6], [3 * H, 2 * H, 2 * H, H]),
        'phi_v_vdw': make_mlp(ks[7], [3 * H, 2 * H, 2 * H, H]),
        'phi_u_che': make_mlp(ks[8], [3 * H, 2 * H, 2 * H, H]),
        'phi_u_vdw': make_mlp(ks[9], [3 * H, 2 * H, 2 * H, H]),
    }


def setup_inputs(seed: int = 0):
    key = jax.random.key(seed)
    ks = jax.random.split(key, 8)
    nodes = jax.random.normal(ks[0], (N, H), dtype=jnp.float32)
    state = jax.random.normal(ks[1], (B, H), dtype=jnp.float32)
    che_edges = jax.random.normal(ks[2], (E_CHE, H), dtype=jnp.float32)
    vdw_edges = jax.random.normal(ks[3], (E_VDW, H), dtype=jnp.float32)
    che_gid = jnp.repeat(jnp.arange(B, dtype=jnp.int32), EC_PG)
    vdw_gid = jnp.repeat(jnp.arange(B, dtype=jnp.int32), EV_PG)
    che_index = jax.random.randint(ks[4], (E_CHE, 2), 0, APG, dtype=jnp.int32) + (che_gid * APG)[:, None]
    vdw_index = jax.random.randint(ks[5], (E_VDW, 2), 0, APG, dtype=jnp.int32) + (vdw_gid * APG)[:, None]
    num_atoms = jnp.full((B,), APG, dtype=jnp.int32)
    che_num_pairs = jnp.full((B,), EC_PG, dtype=jnp.int32)
    vdw_num_pairs = jnp.full((B,), EV_PG, dtype=jnp.int32)
    node_index = jnp.repeat(jnp.arange(B, dtype=jnp.int32), APG)
    params = make_params(ks[6])
    return {
        'nodes': nodes, 'state': state,
        'che_edges': che_edges, 'vdw_edges': vdw_edges,
        'che_index': che_index, 'vdw_index': vdw_index,
        'che_edge_index': che_gid, 'vdw_edge_index': vdw_gid,
        'node_index': node_index, 'num_atoms': num_atoms,
        'che_num_pairs': che_num_pairs, 'vdw_num_pairs': vdw_num_pairs,
        'params': params,
    }


def reference(nodes, state, che_edges, vdw_edges, che_index, vdw_index,
              che_edge_index, vdw_edge_index, node_index, num_atoms,
              che_num_pairs, vdw_num_pairs, params):
    # MegBlock forward, inner_skip=False, pool_method='sum'
    e_che_skip, e_vdw_skip, v_skip, u_skip = che_edges, vdw_edges, nodes, state
    e_che = mlp(params['pre_e_che'], che_edges)
    e_vdw = mlp(params['pre_e_vdw'], vdw_edges)
    v = mlp(params['pre_v'], nodes)
    u = mlp(params['pre_u'], state)

    def half(e, idx, gid, npairs, E, phi_e, phi_v, phi_u):
        center = v[idx[:, 0]]
        nbr = v[idx[:, 1]]
        u_e = jnp.repeat(u, npairs, axis=0, total_repeat_length=E)
        e_p = mlp(phi_e, jnp.concatenate([center, e, nbr, u_e], axis=-1))
        e_v = jnp.zeros_like(v).at[idx[:, 0]].add(e_p)
        u_v = jnp.repeat(u, num_atoms, axis=0, total_repeat_length=v.shape[0])
        v_p = mlp(phi_v, jnp.concatenate([e_v, v, u_v], axis=-1))
        e_u = jnp.zeros_like(u).at[gid].add(e_p)
        v_u = jnp.zeros_like(u).at[node_index].add(v_p)
        u_p = mlp(phi_u, jnp.concatenate([e_u, v_u, u], axis=-1))
        return e_p, v_p, u_p

    che_e_p, che_v_p, che_u_p = half(e_che, che_index, che_edge_index, che_num_pairs, E_CHE,
                                     params['phi_e_che'], params['phi_v_che'], params['phi_u_che'])
    vdw_e_p, vdw_v_p, vdw_u_p = half(e_vdw, vdw_index, vdw_edge_index, vdw_num_pairs, E_VDW,
                                     params['phi_e_vdw'], params['phi_v_vdw'], params['phi_u_vdw'])
    return (e_che_skip + che_e_p,
            e_vdw_skip + vdw_e_p,
            v_skip + che_v_p + vdw_v_p,
            u_skip + che_u_p + vdw_u_p)

if __name__ == "__main__":
    import jax
    _d = setup_inputs()
    print(jax.jit(kernel)(*tuple(_d.values())))

</pallas_src>

<mosaic_0001>
module attributes {stable_mosaic.version = 14 : i64} {
  func.func @body(%arg0: i32, %arg1: memref<2x100x32xf32, #tpu.memory_space<vmem>>, %arg2: memref<2x1x32xf32, #tpu.memory_space<vmem>>, %arg3: memref<2x1600x32xf32, #tpu.memory_space<vmem>>, %arg4: memref<2x800x32xf32, #tpu.memory_space<vmem>>, %arg5: memref<2x1600x2xi32, #tpu.memory_space<vmem>>, %arg6: memref<2x800x2xi32, #tpu.memory_space<vmem>>, %arg7: memref<32x64xf32, #tpu.memory_space<vmem>>, %arg8: memref<1x64xf32, #tpu.memory_space<vmem>>, %arg9: memref<64x32xf32, #tpu.memory_space<vmem>>, %arg10: memref<1x32xf32, #tpu.memory_space<vmem>>, %arg11: memref<32x64xf32, #tpu.memory_space<vmem>>, %arg12: memref<1x64xf32, #tpu.memory_space<vmem>>, %arg13: memref<64x32xf32, #tpu.memory_space<vmem>>, %arg14: memref<1x32xf32, #tpu.memory_space<vmem>>, %arg15: memref<32x64xf32, #tpu.memory_space<vmem>>, %arg16: memref<1x64xf32, #tpu.memory_space<vmem>>, %arg17: memref<64x32xf32, #tpu.memory_space<vmem>>, %arg18: memref<1x32xf32, #tpu.memory_space<vmem>>, %arg19: memref<32x64xf32, #tpu.memory_space<vmem>>, %arg20: memref<1x64xf32, #tpu.memory_space<vmem>>, %arg21: memref<64x32xf32, #tpu.memory_space<vmem>>, %arg22: memref<1x32xf32, #tpu.memory_space<vmem>>, %arg23: memref<128x64xf32, #tpu.memory_space<vmem>>, %arg24: memref<1x64xf32, #tpu.memory_space<vmem>>, %arg25: memref<64x64xf32, #tpu.memory_space<vmem>>, %arg26: memref<1x64xf32, #tpu.memory_space<vmem>>, %arg27: memref<64x32xf32, #tpu.memory_space<vmem>>, %arg28: memref<1x32xf32, #tpu.memory_space<vmem>>, %arg29: memref<128x64xf32, #tpu.memory_space<vmem>>, %arg30: memref<1x64xf32, #tpu.memory_space<vmem>>, %arg31: memref<64x64xf32, #tpu.memory_space<vmem>>, %arg32: memref<1x64xf32, #tpu.memory_space<vmem>>, %arg33: memref<64x32xf32, #tpu.memory_space<vmem>>, %arg34: memref<1x32xf32, #tpu.memory_space<vmem>>, %arg35: memref<96x64xf32, #tpu.memory_space<vmem>>, %arg36: memref<1x64xf32, #tpu.memory_space<vmem>>, %arg37: memref<64x64xf32, #tpu.memory_space<vmem>>, %arg38: memref<1x64xf32, #tpu.memory_space<vmem>>, %arg39: memref<64x32xf32, #tpu.memory_space<vmem>>, %arg40: memref<1x32xf32, #tpu.memory_space<vmem>>, %arg41: memref<96x64xf32, #tpu.memory_space<vmem>>, %arg42: memref<1x64xf32, #tpu.memory_space<vmem>>, %arg43: memref<64x64xf32, #tpu.memory_space<vmem>>, %arg44: memref<1x64xf32, #tpu.memory_space<vmem>>, %arg45: memref<64x32xf32, #tpu.memory_space<vmem>>, %arg46: memref<1x32xf32, #tpu.memory_space<vmem>>, %arg47: memref<96x64xf32, #tpu.memory_space<vmem>>, %arg48: memref<1x64xf32, #tpu.memory_space<vmem>>, %arg49: memref<64x64xf32, #tpu.memory_space<vmem>>, %arg50: memref<1x64xf32, #tpu.memory_space<vmem>>, %arg51: memref<64x32xf32, #tpu.memory_space<vmem>>, %arg52: memref<1x32xf32, #tpu.memory_space<vmem>>, %arg53: memref<96x64xf32, #tpu.memory_space<vmem>>, %arg54: memref<1x64xf32, #tpu.memory_space<vmem>>, %arg55: memref<64x64xf32, #tpu.memory_space<vmem>>, %arg56: memref<1x64xf32, #tpu.memory_space<vmem>>, %arg57: memref<64x32xf32, #tpu.memory_space<vmem>>, %arg58: memref<1x32xf32, #tpu.memory_space<vmem>>, %arg59: memref<2x1600x32xf32, #tpu.memory_space<vmem>>, %arg60: memref<2x800x32xf32, #tpu.memory_space<vmem>>, %arg61: memref<2x100x32xf32, #tpu.memory_space<vmem>>, %arg62: memref<2x1x32xf32, #tpu.memory_space<vmem>>) attributes {dimension_semantics = [#tpu.dimension_semantics<arbitrary>], iteration_bounds = array<i64: 250>, scalar_prefetch = 0 : i64, scratch_operands = 0 : i64, tpu.core_type = #tpu.core_type<tc>, window_params = [{transform_indices = @transform_0, window_bounds = array<i64: 2, 100, 32>}, {transform_indices = @transform_1, window_bounds = array<i64: 2, 1, 32>}, {transform_indices = @transform_2, window_bounds = array<i64: 2, 1600, 32>}, {transform_indices = @transform_3, window_bounds = array<i64: 2, 800, 32>}, {transform_indices = @transform_4, window_bounds = array<i64: 2, 1600, 2>}, {transform_indices = @transform_5, window_bounds = array<i64: 2, 800, 2>}, {pipeline_mode = #tpu.pipeline_mode<synchronous>, transform_indices = @transform_6, window_bounds = array<i64: 32, 64>}, {pipeline_mode = #tpu.pipeline_mode<synchronous>, transform_indices = @transform_7, window_bounds = array<i64: 1, 64>}, {pipeline_mode = #tpu.pipeline_mode<synchronous>, transform_indices = @transform_8, window_bounds = array<i64: 64, 32>}, {pipeline_mode = #tpu.pipeline_mode<synchronous>, transform_indices = @transform_9, window_bounds = array<i64: 1, 32>}, {pipeline_mode = #tpu.pipeline_mode<synchronous>, transform_indices = @transform_10, window_bounds = array<i64: 32, 64>}, {pipeline_mode = #tpu.pipeline_mode<synchronous>, transform_indices = @transform_11, window_bounds = array<i64: 1, 64>}, {pipeline_mode = #tpu.pipeline_mode<synchronous>, transform_indices = @transform_12, window_bounds = array<i64: 64, 32>}, {pipeline_mode = #tpu.pipeline_mode<synchronous>, transform_indices = @transform_13, window_bounds = array<i64: 1, 32>}, {pipeline_mode = #tpu.pipeline_mode<synchronous>, transform_indices = @transform_14, window_bounds = array<i64: 32, 64>}, {pipeline_mode = #tpu.pipeline_mode<synchronous>, transform_indices = @transform_15, window_bounds = array<i64: 1, 64>}, {pipeline_mode = #tpu.pipeline_mode<synchronous>, transform_indices = @transform_16, window_bounds = array<i64: 64, 32>}, {pipeline_mode = #tpu.pipeline_mode<synchronous>, transform_indices = @transform_17, window_bounds = array<i64: 1, 32>}, {pipeline_mode = #tpu.pipeline_mode<synchronous>, transform_indices = @transform_18, window_bounds = array<i64: 32, 64>}, {pipeline_mode = #tpu.pipeline_mode<synchronous>, transform_indices = @transform_19, window_bounds = array<i64: 1, 64>}, {pipeline_mode = #tpu.pipeline_mode<synchronous>, transform_indices = @transform_20, window_bounds = array<i64: 64, 32>}, {pipeline_mode = #tpu.pipeline_mode<synchronous>, transform_indices = @transform_21, window_bounds = array<i64: 1, 32>}, {pipeline_mode = #tpu.pipeline_mode<synchronous>, transform_indices = @transform_22, window_bounds = array<i64: 128, 64>}, {pipeline_mode = #tpu.pipeline_mode<synchronous>, transform_indices = @transform_23, window_bounds = array<i64: 1, 64>}, {pipeline_mode = #tpu.pipeline_mode<synchronous>, transform_indices = @transform_24, window_bounds = array<i64: 64, 64>}, {pipeline_mode = #tpu.pipeline_mode<synchronous>, transform_indices = @transform_25, window_bounds = array<i64: 1, 64>}, {pipeline_mode = #tpu.pipeline_mode<synchronous>, transform_indices = @transform_26, window_bounds = array<i64: 64, 32>}, {pipeline_mode = #tpu.pipeline_mode<synchronous>, transform_indices = @transform_27, window_bounds = array<i64: 1, 32>}, {pipeline_mode = #tpu.pipeline_mode<synchronous>, transform_indices = @transform_28, window_bounds = array<i64: 128, 64>}, {pipeline_mode = #tpu.pipeline_mode<synchronous>, transform_indices = @transform_29, window_bounds = array<i64: 1, 64>}, {pipeline_mode = #tpu.pipeline_mode<synchronous>, transform_indices = @transform_30, window_bounds = array<i64: 64, 64>}, {pipeline_mode = #tpu.pipeline_mode<synchronous>, transform_indices = @transform_31, window_bounds = array<i64: 1, 64>}, {pipeline_mode = #tpu.pipeline_mode<synchronous>, transform_indices = @transform_32, window_bounds = array<i64: 64, 32>}, {pipeline_mode = #tpu.pipeline_mode<synchronous>, transform_indices = @transform_33, window_bounds = array<i64: 1, 32>}, {pipeline_mode = #tpu.pipeline_mode<synchronous>, transform_indices = @transform_34, window_bounds = array<i64: 96, 64>}, {pipeline_mode = #tpu.pipeline_mode<synchronous>, transform_indices = @transform_35, window_bounds = array<i64: 1, 64>}, {pipeline_mode = #tpu.pipeline_mode<synchronous>, transform_indices = @transform_36, window_bounds = array<i64: 64, 64>}, {pipeline_mode = #tpu.pipeline_mode<synchronous>, transform_indices = @transform_37, window_bounds = array<i64: 1, 64>}, {pipeline_mode = #tpu.pipeline_mode<synchronous>, transform_indices = @transform_38, window_bounds = array<i64: 64, 32>}, {pipeline_mode = #tpu.pipeline_mode<synchronous>, transform_indices = @transform_39, window_bounds = array<i64: 1, 32>}, {pipeline_mode = #tpu.pipeline_mode<synchronous>, transform_indices = @transform_40, window_bounds = array<i64: 96, 64>}, {pipeline_mode = #tpu.pipeline_mode<synchronous>, transform_indices = @transform_41, window_bounds = array<i64: 1, 64>}, {pipeline_mode = #tpu.pipeline_mode<synchronous>, transform_indices = @transform_42, window_bounds = array<i64: 64, 64>}, {pipeline_mode = #tpu.pipeline_mode<synchronous>, transform_indices = @transform_43, window_bounds = array<i64: 1, 64>}, {pipeline_mode = #tpu.pipeline_mode<synchronous>, transform_indices = @transform_44, window_bounds = array<i64: 64, 32>}, {pipeline_mode = #tpu.pipeline_mode<synchronous>, transform_indices = @transform_45, window_bounds = array<i64: 1, 32>}, {pipeline_mode = #tpu.pipeline_mode<synchronous>, transform_indices = @transform_46, window_bounds = array<i64: 96, 64>}, {pipeline_mode = #tpu.pipeline_mode<synchronous>, transform_indices = @transform_47, window_bounds = array<i64: 1, 64>}, {pipeline_mode = #tpu.pipeline_mode<synchronous>, transform_indices = @transform_48, window_bounds = array<i64: 64, 64>}, {pipeline_mode = #tpu.pipeline_mode<synchronous>, transform_indices = @transform_49, window_bounds = array<i64: 1, 64>}, {pipeline_mode = #tpu.pipeline_mode<synchronous>, transform_indices = @transform_50, window_bounds = array<i64: 64, 32>}, {pipeline_mode = #tpu.pipeline_mode<synchronous>, transform_indices = @transform_51, window_bounds = array<i64: 1, 32>}, {pipeline_mode = #tpu.pipeline_mode<synchronous>, transform_indices = @transform_52, window_bounds = array<i64: 96, 64>}, {pipeline_mode = #tpu.pipeline_mode<synchronous>, transform_indices = @transform_53, window_bounds = array<i64: 1, 64>}, {pipeline_mode = #tpu.pipeline_mode<synchronous>, transform_indices = @transform_54, window_bounds = array<i64: 64, 64>}, {pipeline_mode = #tpu.pipeline_mode<synchronous>, transform_indices = @transform_55, window_bounds = array<i64: 1, 64>}, {pipeline_mode = #tpu.pipeline_mode<synchronous>, transform_indices = @transform_56, window_bounds = array<i64: 64, 32>}, {pipeline_mode = #tpu.pipeline_mode<synchronous>, transform_indices = @transform_57, window_bounds = array<i64: 1, 32>}, {transform_indices = @transform_58, window_bounds = array<i64: 2, 1600, 32>}, {transform_indices = @transform_59, window_bounds = array<i64: 2, 800, 32>}, {transform_indices = @transform_60, window_bounds = array<i64: 2, 100, 32>}, {transform_indices = @transform_61, window_bounds = array<i64: 2, 1, 32>}]} {
    %get3A = arith.constant 0 : index
    %get3A_0 = arith.constant 0 : index
    %get3A_1 = vector.load %arg7[%get3A, %get3A_0] : memref<32x64xf32, #tpu.memory_space<vmem>>, vector<32x64xf32>
    %get3A_2 = arith.constant 0 : index
    %get3A_3 = arith.constant 0 : index
    %get3A_4 = vector.load %arg8[%get3A_2, %get3A_3] : memref<1x64xf32, #tpu.memory_space<vmem>>, vector<1x64xf32>
    %get3A_5 = arith.constant 0 : index
    %get3A_6 = arith.constant 0 : index
    %get3A_7 = vector.load %arg9[%get3A_5, %get3A_6] : memref<64x32xf32, #tpu.memory_space<vmem>>, vector<64x32xf32>
    %get3A_8 = arith.constant 0 : index
    %get3A_9 = arith.constant 0 : index
    %get3A_10 = vector.load %arg10[%get3A_8, %get3A_9] : memref<1x32xf32, #tpu.memory_space<vmem>>, vector<1x32xf32>
    %get3A_11 = arith.constant 0 : index
    %get3A_12 = arith.constant 0 : index
    %get3A_13 = vector.load %arg11[%get3A_11, %get3A_12] : memref<32x64xf32, #tpu.memory_space<vmem>>, vector<32x64xf32>
    %get3A_14 = arith.constant 0 : index
    %get3A_15 = arith.constant 0 : index
    %get3A_16 = vector.load %arg12[%get3A_14, %get3A_15] : memref<1x64xf32, #tpu.memory_space<vmem>>, vector<1x64xf32>
    %get3A_17 = arith.constant 0 : index
    %get3A_18 = arith.constant 0 : index
    %get3A_19 = vector.load %arg13[%get3A_17, %get3A_18] : memref<64x32xf32, #tpu.memory_space<vmem>>, vector<64x32xf32>
    %get3A_20 = arith.constant 0 : index
    %get3A_21 = arith.constant 0 : index
    %get3A_22 = vector.load %arg14[%get3A_20, %get3A_21] : memref<1x32xf32, #tpu.memory_space<vmem>>, vector<1x32xf32>
    %get3A_23 = arith.constant 0 : index
    %get3A_24 = arith.constant 0 : index
    %get3A_25 = vector.load %arg15[%get3A_23, %get3A_24] : memref<32x64xf32, #tpu.memory_space<vmem>>, vector<32x64xf32>
    %get3A_26 = arith.constant 0 : index
    %get3A_27 = arith.constant 0 : index
    %get3A_28 = vector.load %arg16[%get3A_26, %get3A_27] : memref<1x64xf32, #tpu.memory_space<vmem>>, vector<1x64xf32>
    %get3A_29 = arith.constant 0 : index
    %get3A_30 = arith.constant 0 : index
    %get3A_31 = vector.load %arg17[%get3A_29, %get3A_30] : memref<64x32xf32, #tpu.memory_space<vmem>>, vector<64x32xf32>
    %get3A_32 = arith.constant 0 : index
    %get3A_33 = arith.constant 0 : index
    %get3A_34 = vector.load %arg18[%get3A_32, %get3A_33] : memref<1x32xf32, #tpu.memory_space<vmem>>, vector<1x32xf32>
    %get3A_35 = arith.constant 0 : index
    %get3A_36 = arith.constant 0 : index
    %get3A_37 = vector.load %arg19[%get3A_35, %get3A_36] : memref<32x64xf32, #tpu.memory_space<vmem>>, vector<32x64xf32>
    %get3A_38 = arith.constant 0 : index
    %get3A_39 = arith.constant 0 : index
    %get3A_40 = vector.load %arg20[%get3A_38, %get3A_39] : memref<1x64xf32, #tpu.memory_space<vmem>>, vector<1x64xf32>
    %get3A_41 = arith.constant 0 : index
    %get3A_42 = arith.constant 0 : index
    %get3A_43 = vector.load %arg21[%get3A_41, %get3A_42] : memref<64x32xf32, #tpu.memory_space<vmem>>, vector<64x32xf32>
    %get3A_44 = arith.constant 0 : index
    %get3A_45 = arith.constant 0 : index
    %get3A_46 = vector.load %arg22[%get3A_44, %get3A_45] : memref<1x32xf32, #tpu.memory_space<vmem>>, vector<1x32xf32>
    %get3A_47 = arith.constant 0 : index
    %get3A_48 = arith.constant 0 : index
    %get3A_49 = vector.load %arg23[%get3A_47, %get3A_48] : memref<128x64xf32, #tpu.memory_space<vmem>>, vector<128x64xf32>
    %get3A_50 = arith.constant 0 : index
    %get3A_51 = arith.constant 0 : index
    %get3A_52 = vector.load %arg24[%get3A_50, %get3A_51] : memref<1x64xf32, #tpu.memory_space<vmem>>, vector<1x64xf32>
    %get3A_53 = arith.constant 0 : index
    %get3A_54 = arith.constant 0 : index
    %get3A_55 = vector.load %arg25[%get3A_53, %get3A_54] : memref<64x64xf32, #tpu.memory_space<vmem>>, vector<64x64xf32>
    %get3A_56 = arith.constant 0 : index
    %get3A_57 = arith.constant 0 : index
    %get3A_58 = vector.load %arg26[%get3A_56, %get3A_57] : memref<1x64xf32, #tpu.memory_space<vmem>>, vector<1x64xf32>
    %get3A_59 = arith.constant 0 : index
    %get3A_60 = arith.constant 0 : index
    %get3A_61 = vector.load %arg27[%get3A_59, %get3A_60] : memref<64x32xf32, #tpu.memory_space<vmem>>, vector<64x32xf32>
    %get3A_62 = arith.constant 0 : index
    %get3A_63 = arith.constant 0 : index
    %get3A_64 = vector.load %arg28[%get3A_62, %get3A_63] : memref<1x32xf32, #tpu.memory_space<vmem>>, vector<1x32xf32>
    %get3A_65 = arith.constant 0 : index
    %get3A_66 = arith.constant 0 : index
    %get3A_67 = vector.load %arg29[%get3A_65, %get3A_66] : memref<128x64xf32, #tpu.memory_space<vmem>>, vector<128x64xf32>
    %get3A_68 = arith.constant 0 : index
    %get3A_69 = arith.constant 0 : index
    %get3A_70 = vector.load %arg30[%get3A_68, %get3A_69] : memref<1x64xf32, #tpu.memory_space<vmem>>, vector<1x64xf32>
    %get3A_71 = arith.constant 0 : index
    %get3A_72 = arith.constant 0 : index
    %get3A_73 = vector.load %arg31[%get3A_71, %get3A_72] : memref<64x64xf32, #tpu.memory_space<vmem>>, vector<64x64xf32>
    %get3A_74 = arith.constant 0 : index
    %get3A_75 = arith.constant 0 : index
    %get3A_76 = vector.load %arg32[%get3A_74, %get3A_75] : memref<1x64xf32, #tpu.memory_space<vmem>>, vector<1x64xf32>
    %get3A_77 = arith.constant 0 : index
    %get3A_78 = arith.constant 0 : index
    %get3A_79 = vector.load %arg33[%get3A_77, %get3A_78] : memref<64x32xf32, #tpu.memory_space<vmem>>, vector<64x32xf32>
    %get3A_80 = arith.constant 0 : index
    %get3A_81 = arith.constant 0 : index
    %get3A_82 = vector.load %arg34[%get3A_80, %get3A_81] : memref<1x32xf32, #tpu.memory_space<vmem>>, vector<1x32xf32>
    %get3A_83 = arith.constant 0 : index
    %get3A_84 = arith.constant 0 : index
    %get3A_85 = vector.load %arg35[%get3A_83, %get3A_84] : memref<96x64xf32, #tpu.memory_space<vmem>>, vector<96x64xf32>
    %get3A_86 = arith.constant 0 : index
    %get3A_87 = arith.constant 0 : index
    %get3A_88 = vector.load %arg36[%get3A_86, %get3A_87] : memref<1x64xf32, #tpu.memory_space<vmem>>, vector<1x64xf32>
    %get3A_89 = arith.constant 0 : index
    %get3A_90 = arith.constant 0 : index
    %get3A_91 = vector.load %arg37[%get3A_89, %get3A_90] : memref<64x64xf32, #tpu.memory_space<vmem>>, vector<64x64xf32>
    %get3A_92 = arith.constant 0 : index
    %get3A_93 = arith.constant 0 : index
    %get3A_94 = vector.load %arg38[%get3A_92, %get3A_93] : memref<1x64xf32, #tpu.memory_space<vmem>>, vector<1x64xf32>
    %get3A_95 = arith.constant 0 : index
    %get3A_96 = arith.constant 0 : index
    %get3A_97 = vector.load %arg39[%get3A_95, %get3A_96] : memref<64x32xf32, #tpu.memory_space<vmem>>, vector<64x32xf32>
    %get3A_98 = arith.constant 0 : index
    %get3A_99 = arith.constant 0 : index
    %get3A_100 = vector.load %arg40[%get3A_98, %get3A_99] : memref<1x32xf32, #tpu.memory_space<vmem>>, vector<1x32xf32>
    %get3A_101 = arith.constant 0 : index
    %get3A_102 = arith.constant 0 : index
    %get3A_103 = vector.load %arg41[%get3A_101, %get3A_102] : memref<96x64xf32, #tpu.memory_space<vmem>>, vector<96x64xf32>
    %get3A_104 = arith.constant 0 : index
    %get3A_105 = arith.constant 0 : index
    %get3A_106 = vector.load %arg42[%get3A_104, %get3A_105] : memref<1x64xf32, #tpu.memory_space<vmem>>, vector<1x64xf32>
    %get3A_107 = arith.constant 0 : index
    %get3A_108 = arith.constant 0 : index
    %get3A_109 = vector.load %arg43[%get3A_107, %get3A_108] : memref<64x64xf32, #tpu.memory_space<vmem>>, vector<64x64xf32>
    %get3A_110 = arith.constant 0 : index
    %get3A_111 = arith.constant 0 : index
    %get3A_112 = vector.load %arg44[%get3A_110, %get3A_111] : memref<1x64xf32, #tpu.memory_space<vmem>>, vector<1x64xf32>
    %get3A_113 = arith.constant 0 : index
    %get3A_114 = arith.constant 0 : index
    %get3A_115 = vector.load %arg45[%get3A_113, %get3A_114] : memref<64x32xf32, #tpu.memory_space<vmem>>, vector<64x32xf32>
    %get3A_116 = arith.constant 0 : index
    %get3A_117 = arith.constant 0 : index
    %get3A_118 = vector.load %arg46[%get3A_116, %get3A_117] : memref<1x32xf32, #tpu.memory_space<vmem>>, vector<1x32xf32>
    %get3A_119 = arith.constant 0 : index
    %get3A_120 = arith.constant 0 : index
    %get3A_121 = vector.load %arg47[%get3A_119, %get3A_120] : memref<96x64xf32, #tpu.memory_space<vmem>>, vector<96x64xf32>
    %get3A_122 = arith.constant 0 : index
    %get3A_123 = arith.constant 0 : index
    %get3A_124 = vector.load %arg48[%get3A_122, %get3A_123] : memref<1x64xf32, #tpu.memory_space<vmem>>, vector<1x64xf32>
    %get3A_125 = arith.constant 0 : index
    %get3A_126 = arith.constant 0 : index
    %get3A_127 = vector.load %arg49[%get3A_125, %get3A_126] : memref<64x64xf32, #tpu.memory_space<vmem>>, vector<64x64xf32>
    %get3A_128 = arith.constant 0 : index
    %get3A_129 = arith.constant 0 : index
    %get3A_130 = vector.load %arg50[%get3A_128, %get3A_129] : memref<1x64xf32, #tpu.memory_space<vmem>>, vector<1x64xf32>
    %get3A_131 = arith.constant 0 : index
    %get3A_132 = arith.constant 0 : index
    %get3A_133 = vector.load %arg51[%get3A_131, %get3A_132] : memref<64x32xf32, #tpu.memory_space<vmem>>, vector<64x32xf32>
    %get3A_134 = arith.constant 0 : index
    %get3A_135 = arith.constant 0 : index
    %get3A_136 = vector.load %arg52[%get3A_134, %get3A_135] : memref<1x32xf32, #tpu.memory_space<vmem>>, vector<1x32xf32>
    %get3A_137 = arith.constant 0 : index
    %get3A_138 = arith.constant 0 : index
    %get3A_139 = vector.load %arg53[%get3A_137, %get3A_138] : memref<96x64xf32, #tpu.memory_space<vmem>>, vector<96x64xf32>
    %get3A_140 = arith.constant 0 : index
    %get3A_141 = arith.constant 0 : index
    %get3A_142 = vector.load %arg54[%get3A_140, %get3A_141] : memref<1x64xf32, #tpu.memory_space<vmem>>, vector<1x64xf32>
    %get3A_143 = arith.constant 0 : index
    %get3A_144 = arith.constant 0 : index
    %get3A_145 = vector.load %arg55[%get3A_143, %get3A_144] : memref<64x64xf32, #tpu.memory_space<vmem>>, vector<64x64xf32>
    %get3A_146 = arith.constant 0 : index
    %get3A_147 = arith.constant 0 : index
    %get3A_148 = vector.load %arg56[%get3A_146, %get3A_147] : memref<1x64xf32, #tpu.memory_space<vmem>>, vector<1x64xf32>
    %get3A_149 = arith.constant 0 : index
    %get3A_150 = arith.constant 0 : index
    %get3A_151 = vector.load %arg57[%get3A_149, %get3A_150] : memref<64x32xf32, #tpu.memory_space<vmem>>, vector<64x32xf32>
    %get3A_152 = arith.constant 0 : index
    %get3A_153 = arith.constant 0 : index
    %get3A_154 = vector.load %arg58[%get3A_152, %get3A_153] : memref<1x32xf32, #tpu.memory_space<vmem>>, vector<1x32xf32>
    %mul3A = arith.constant 200 : i32
    %mul3A_155 = arith.muli %arg0, %mul3A : i32
    %get3A_156 = arith.constant 0 : index
    %get3A_157 = arith.constant 0 : index
    %get3A_158 = arith.constant 0 : index
    %get3A_159 = vector.load %arg1[%get3A_156, %get3A_157, %get3A_158] : memref<2x100x32xf32, #tpu.memory_space<vmem>>, vector<2x100x32xf32>
    %reshape3A = vector.shape_cast %get3A_159 : vector<2x100x32xf32> to vector<200x32xf32>
    %get3A_160 = arith.constant 0 : index
    %get3A_161 = arith.constant 0 : index
    %get3A_162 = arith.constant 0 : index
    %get3A_163 = vector.load %arg2[%get3A_160, %get3A_161, %get3A_162] : memref<2x1x32xf32, #tpu.memory_space<vmem>>, vector<2x1x32xf32>
    %reshape3A_164 = vector.shape_cast %get3A_163 : vector<2x1x32xf32> to vector<2x32xf32>
    %get3A_165 = arith.constant 0 : index
    %get3A_166 = arith.constant 0 : index
    %get3A_167 = arith.constant 0 : index
    %get3A_168 = vector.load %arg3[%get3A_165, %get3A_166, %get3A_167] : memref<2x1600x32xf32, #tpu.memory_space<vmem>>, vector<2x1600x32xf32>
    %reshape3A_169 = vector.shape_cast %get3A_168 : vector<2x1600x32xf32> to vector<3200x32xf32>
    %get3A_170 = arith.constant 0 : index
    %get3A_171 = arith.constant 0 : index
    %get3A_172 = arith.constant 0 : index
    %get3A_173 = vector.load %arg4[%get3A_170, %get3A_171, %get3A_172] : memref<2x800x32xf32, #tpu.memory_space<vmem>>, vector<2x800x32xf32>
    %reshape3A_174 = vector.shape_cast %get3A_173 : vector<2x800x32xf32> to vector<1600x32xf32>
    %dot_general3A = arith.constant dense<0.000000e+00> : vector<200x64xf32>
    %dot_general3A_175 = tpu.matmul %reshape3A, %get3A_25, %dot_general3A {dimension_numbers = #tpu.dot_dimension_numbers<[1], [0], [0], [1], [0, 0, 1, 1], [], []>, transpose_lhs_hint = false} : vector<200x32xf32>, vector<32x64xf32>, vector<200x64xf32> -> vector<200x64xf32>
    %add3A = vector.broadcast %get3A_28 : vector<1x64xf32> to vector<200x64xf32>
    %add3A_176 = arith.addf %dot_general3A_175, %add3A : vector<200x64xf32>
    %exp3A = math.exp %add3A_176 : vector<200x64xf32>
    %add3A_177 = arith.constant 1.000000e+00 : f32
    %add3A_178 = vector.broadcast %add3A_177 : f32 to vector<200x64xf32>
    %add3A_179 = arith.addf %add3A_178, %exp3A : vector<200x64xf32>
    %log3A = math.log %add3A_179 : vector<200x64xf32>
    %sub3A = arith.constant 0.693147182 : f32
    %sub3A_180 = vector.broadcast %sub3A : f32 to vector<200x64xf32>
    %sub3A_181 = arith.subf %log3A, %sub3A_180 : vector<200x64xf32>
    %dot_general3A_182 = arith.constant dense<0.000000e+00> : vector<200x32xf32>
    %dot_general3A_183 = tpu.matmul %sub3A_181, %get3A_31, %dot_general3A_182 {dimension_numbers = #tpu.dot_dimension_numbers<[1], [0], [0], [1], [0, 0, 1, 1], [], []>, transpose_lhs_hint = false} : vector<200x64xf32>, vector<64x32xf32>, vector<200x32xf32> -> vector<200x32xf32>
    %add3A_184 = vector.broadcast %get3A_34 : vector<1x32xf32> to vector<200x32xf32>
    %add3A_185 = arith.addf %dot_general3A_183, %add3A_184 : vector<200x32xf32>
    %exp3A_186 = math.exp %add3A_185 : vector<200x32xf32>
    %add3A_187 = arith.constant 1.000000e+00 : f32
    %add3A_188 = vector.broadcast %add3A_187 : f32 to vector<200x32xf32>
    %add3A_189 = arith.addf %add3A_188, %exp3A_186 : vector<200x32xf32>
    %log3A_190 = math.log %add3A_189 : vector<200x32xf32>
    %sub3A_191 = arith.constant 0.693147182 : f32
    %sub3A_192 = vector.broadcast %sub3A_191 : f32 to vector<200x32xf32>
    %sub3A_193 = arith.subf %log3A_190, %sub3A_192 : vector<200x32xf32>
    %dot_general3A_194 = arith.constant dense<0.000000e+00> : vector<2x64xf32>
    %dot_general3A_195 = tpu.matmul %reshape3A_164, %get3A_37, %dot_general3A_194 {dimension_numbers = #tpu.dot_dimension_numbers<[1], [0], [0], [1], [0, 0, 1, 1], [], []>, transpose_lhs_hint = false} : vector<2x32xf32>, vector<32x64xf32>, vector<2x64xf32> -> vector<2x64xf32>
    %add3A_196 = vector.broadcast %get3A_40 : vector<1x64xf32> to vector<2x64xf32>
    %add3A_197 = arith.addf %dot_general3A_195, %add3A_196 : vector<2x64xf32>
    %exp3A_198 = math.exp %add3A_197 : vector<2x64xf32>
    %add3A_199 = arith.constant 1.000000e+00 : f32
    %add3A_200 = vector.broadcast %add3A_199 : f32 to vector<2x64xf32>
    %add3A_201 = arith.addf %add3A_200, %exp3A_198 : vector<2x64xf32>
    %log3A_202 = math.log %add3A_201 : vector<2x64xf32>
    %sub3A_203 = arith.constant 0.693147182 : f32
    %sub3A_204 = vector.broadcast %sub3A_203 : f32 to vector<2x64xf32>
    %sub3A_205 = arith.subf %log3A_202, %sub3A_204 : vector<2x64xf32>
    %dot_general3A_206 = arith.constant dense<0.000000e+00> : vector<2x32xf32>
    %dot_general3A_207 = tpu.matmul %sub3A_205, %get3A_43, %dot_general3A_206 {dimension_numbers = #tpu.dot_dimension_numbers<[1], [0], [0], [1], [0, 0, 1, 1], [], []>, transpose_lhs_hint = false} : vector<2x64xf32>, vector<64x32xf32>, vector<2x32xf32> -> vector<2x32xf32>
    %add3A_208 = vector.broadcast %get3A_46 : vector<1x32xf32> to vector<2x32xf32>
    %add3A_209 = arith.addf %dot_general3A_207, %add3A_208 : vector<2x32xf32>
    %exp3A_210 = math.exp %add3A_209 : vector<2x32xf32>
    %add3A_211 = arith.constant 1.000000e+00 : f32
    %add3A_212 = vector.broadcast %add3A_211 : f32 to vector<2x32xf32>
    %add3A_213 = arith.addf %add3A_212, %exp3A_210 : vector<2x32xf32>
    %log3A_214 = math.log %add3A_213 : vector<2x32xf32>
    %sub3A_215 = arith.constant 0.693147182 : f32
    %sub3A_216 = vector.broadcast %sub3A_215 : f32 to vector<2x32xf32>
    %sub3A_217 = arith.subf %log3A_214, %sub3A_216 : vector<2x32xf32>
    %dot_general3A_218 = arith.constant dense<0.000000e+00> : vector<3200x64xf32>
    %dot_general3A_219 = tpu.matmul %reshape3A_169, %get3A_1, %dot_general3A_218 {dimension_numbers = #tpu.dot_dimension_numbers<[1], [0], [0], [1], [0, 0, 1, 1], [], []>, transpose_lhs_hint = false} : vector<3200x32xf32>, vector<32x64xf32>, vector<3200x64xf32> -> vector<3200x64xf32>
    %add3A_220 = vector.broadcast %get3A_4 : vector<1x64xf32> to vector<3200x64xf32>
    %add3A_221 = arith.addf %dot_general3A_219, %add3A_220 : vector<3200x64xf32>
    %exp3A_222 = math.exp %add3A_221 : vector<3200x64xf32>
    %add3A_223 = arith.constant 1.000000e+00 : f32
    %add3A_224 = vector.broadcast %add3A_223 : f32 to vector<3200x64xf32>
    %add3A_225 = arith.addf %add3A_224, %exp3A_222 : vector<3200x64xf32>
    %log3A_226 = math.log %add3A_225 : vector<3200x64xf32>
    %sub3A_227 = arith.constant 0.693147182 : f32
    %sub3A_228 = vector.broadcast %sub3A_227 : f32 to vector<3200x64xf32>
    %sub3A_229 = arith.subf %log3A_226, %sub3A_228 : vector<3200x64xf32>
    %dot_general3A_230 = arith.constant dense<0.000000e+00> : vector<3200x32xf32>
    %dot_general3A_231 = tpu.matmul %sub3A_229, %get3A_7, %dot_general3A_230 {dimension_numbers = #tpu.dot_dimension_numbers<[1], [0], [0], [1], [0, 0, 1, 1], [], []>, transpose_lhs_hint = false} : vector<3200x64xf32>, vector<64x32xf32>, vector<3200x32xf32> -> vector<3200x32xf32>
    %add3A_232 = vector.broadcast %get3A_10 : vector<1x32xf32> to vector<3200x32xf32>
    %add3A_233 = arith.addf %dot_general3A_231, %add3A_232 : vector<3200x32xf32>
    %exp3A_234 = math.exp %add3A_233 : vector<3200x32xf32>
    %add3A_235 = arith.constant 1.000000e+00 : f32
    %add3A_236 = vector.broadcast %add3A_235 : f32 to vector<3200x32xf32>
    %add3A_237 = arith.addf %add3A_236, %exp3A_234 : vector<3200x32xf32>
    %log3A_238 = math.log %add3A_237 : vector<3200x32xf32>
    %sub3A_239 = arith.constant 0.693147182 : f32
    %sub3A_240 = vector.broadcast %sub3A_239 : f32 to vector<3200x32xf32>
    %sub3A_241 = arith.subf %log3A_238, %sub3A_240 : vector<3200x32xf32>
    %dot_general3A_242 = arith.constant dense<0.000000e+00> : vector<1600x64xf32>
    %dot_general3A_243 = tpu.matmul %reshape3A_174, %get3A_13, %dot_general3A_242 {dimension_numbers = #tpu.dot_dimension_numbers<[1], [0], [0], [1], [0, 0, 1, 1], [], []>, transpose_lhs_hint = false} : vector<1600x32xf32>, vector<32x64xf32>, vector<1600x64xf32> -> vector<1600x64xf32>
    %add3A_244 = vector.broadcast %get3A_16 : vector<1x64xf32> to vector<1600x64xf32>
    %add3A_245 = arith.addf %dot_general3A_243, %add3A_244 : vector<1600x64xf32>
    %exp3A_246 = math.exp %add3A_245 : vector<1600x64xf32>
    %add3A_247 = arith.constant 1.000000e+00 : f32
    %add3A_248 = vector.broadcast %add3A_247 : f32 to vector<1600x64xf32>
    %add3A_249 = arith.addf %add3A_248, %exp3A_246 : vector<1600x64xf32>
    %log3A_250 = math.log %add3A_249 : vector<1600x64xf32>
    %sub3A_251 = arith.constant 0.693147182 : f32
    %sub3A_252 = vector.broadcast %sub3A_251 : f32 to vector<1600x64xf32>
    %sub3A_253 = arith.subf %log3A_250, %sub3A_252 : vector<1600x64xf32>
    %dot_general3A_254 = arith.constant dense<0.000000e+00> : vector<1600x32xf32>
    %dot_general3A_255 = tpu.matmul %sub3A_253, %get3A_19, %dot_general3A_254 {dimension_numbers = #tpu.dot_dimension_numbers<[1], [0], [0], [1], [0, 0, 1, 1], [], []>, transpose_lhs_hint = false} : vector<1600x64xf32>, vector<64x32xf32>, vector<1600x32xf32> -> vector<1600x32xf32>
    %add3A_256 = vector.broadcast %get3A_22 : vector<1x32xf32> to vector<1600x32xf32>
    %add3A_257 = arith.addf %dot_general3A_255, %add3A_256 : vector<1600x32xf32>
    %exp3A_258 = math.exp %add3A_257 : vector<1600x32xf32>
    %add3A_259 = arith.constant 1.000000e+00 : f32
    %add3A_260 = vector.broadcast %add3A_259 : f32 to vector<1600x32xf32>
    %add3A_261 = arith.addf %add3A_260, %exp3A_258 : vector<1600x32xf32>
    %log3A_262 = math.log %add3A_261 : vector<1600x32xf32>
    %sub3A_263 = arith.constant 0.693147182 : f32
    %sub3A_264 = vector.broadcast %sub3A_263 : f32 to vector<1600x32xf32>
    %sub3A_265 = arith.subf %log3A_262, %sub3A_264 : vector<1600x32xf32>
    %broadcast_in_dim3A = vector.shape_cast %sub3A_217 : vector<2x32xf32> to vector<2x1x32xf32>
    %broadcast_in_dim3A_266 = vector.shape_cast %broadcast_in_dim3A : vector<2x1x32xf32> to vector<2x1x32xf32>
    %broadcast_in_dim3A_267 = vector.broadcast %broadcast_in_dim3A_266 : vector<2x1x32xf32> to vector<2x100x32xf32>
    %reshape3A_268 = vector.shape_cast %broadcast_in_dim3A_267 : vector<2x100x32xf32> to vector<200x32xf32>
    %get3A_269 = arith.constant 0 : index
    %get3A_270 = arith.constant 0 : index
    %get3A_271 = arith.constant 0 : index
    %get3A_272 = vector.load %arg5[%get3A_269, %get3A_270, %get3A_271] : memref<2x1600x2xi32, #tpu.memory_space<vmem>>, vector<2x1600x2xi32>
    %sub3A_273 = vector.broadcast %mul3A_155 : i32 to vector<2x1600x2xi32>
    %sub3A_274 = arith.subi %get3A_272, %sub3A_273 : vector<2x1600x2xi32>
    %iota3A = tpu.iota {dimensions = array<i32: 2>} : vector<2x1600x200xi32>
    %slice3A = vector.extract_strided_slice %sub3A_274 {offsets = [0, 0, 0], sizes = [2, 1600, 1], strides = [1, 1, 1]} : vector<2x1600x2xi32> to vector<2x1600x1xi32>
    %eq3A = vector.broadcast %slice3A : vector<2x1600x1xi32> to vector<2x1600x200xi32>
    %eq3A_275 = arith.cmpi eq, %eq3A, %iota3A : vector<2x1600x200xi32>
    %convert_element_type3A = arith.extui %eq3A_275 : vector<2x1600x200xi1> to vector<2x1600x200xi32>
    %convert_element_type3A_276 = arith.sitofp %convert_element_type3A : vector<2x1600x200xi32> to vector<2x1600x200xf32>
    %reshape3A_277 = vector.shape_cast %convert_element_type3A_276 : vector<2x1600x200xf32> to vector<3200x200xf32>
    %slice3A_278 = vector.extract_strided_slice %sub3A_274 {offsets = [0, 0, 1], sizes = [2, 1600, 1], strides = [1, 1, 1]} : vector<2x1600x2xi32> to vector<2x1600x1xi32>
    %eq3A_279 = vector.broadcast %slice3A_278 : vector<2x1600x1xi32> to vector<2x1600x200xi32>
    %eq3A_280 = arith.cmpi eq, %eq3A_279, %iota3A : vector<2x1600x200xi32>
    %convert_element_type3A_281 = arith.extui %eq3A_280 : vector<2x1600x200xi1> to vector<2x1600x200xi32>
    %convert_element_type3A_282 = arith.sitofp %convert_element_type3A_281 : vector<2x1600x200xi32> to vector<2x1600x200xf32>
    %reshape3A_283 = vector.shape_cast %convert_element_type3A_282 : vector<2x1600x200xf32> to vector<3200x200xf32>
    %dot_general3A_284 = arith.constant dense<0.000000e+00> : vector<3200x32xf32>
    %dot_general3A_285 = tpu.matmul %reshape3A_277, %sub3A_193, %dot_general3A_284 {dimension_numbers = #tpu.dot_dimension_numbers<[1], [0], [0], [1], [0, 0, 1, 1], [], []>, transpose_lhs_hint = false} : vector<3200x200xf32>, vector<200x32xf32>, vector<3200x32xf32> -> vector<3200x32xf32>
    %dot_general3A_286 = arith.constant dense<0.000000e+00> : vector<3200x32xf32>
    %dot_general3A_287 = tpu.matmul %reshape3A_283, %sub3A_193, %dot_general3A_286 {dimension_numbers = #tpu.dot_dimension_numbers<[1], [0], [0], [1], [0, 0, 1, 1], [], []>, transpose_lhs_hint = false} : vector<3200x200xf32>, vector<200x32xf32>, vector<3200x32xf32> -> vector<3200x32xf32>
    %broadcast_in_dim3A_288 = vector.shape_cast %sub3A_217 : vector<2x32xf32> to vector<2x1x32xf32>
    %broadcast_in_dim3A_289 = vector.shape_cast %broadcast_in_dim3A_288 : vector<2x1x32xf32> to vector<2x1x32xf32>
    %broadcast_in_dim3A_290 = vector.broadcast %broadcast_in_dim3A_289 : vector<2x1x32xf32> to vector<2x1600x32xf32>
    %reshape3A_291 = vector.shape_cast %broadcast_in_dim3A_290 : vector<2x1600x32xf32> to vector<3200x32xf32>
    %concatenate3A = tpu.concatenate %dot_general3A_285, %sub3A_241, %dot_general3A_287, %reshape3A_291 in 1 : vector<3200x32xf32>, vector<3200x32xf32>, vector<3200x32xf32>, vector<3200x32xf32> -> vector<3200x128xf32>
    %dot_general3A_292 = arith.constant dense<0.000000e+00> : vector<3200x64xf32>
    %dot_general3A_293 = tpu.matmul %concatenate3A, %get3A_49, %dot_general3A_292 {dimension_numbers = #tpu.dot_dimension_numbers<[1], [0], [0], [1], [0, 0, 1, 1], [], []>, transpose_lhs_hint = false} : vector<3200x128xf32>, vector<128x64xf32>, vector<3200x64xf32> -> vector<3200x64xf32>
    %add3A_294 = vector.broadcast %get3A_52 : vector<1x64xf32> to vector<3200x64xf32>
    %add3A_295 = arith.addf %dot_general3A_293, %add3A_294 : vector<3200x64xf32>
    %exp3A_296 = math.exp %add3A_295 : vector<3200x64xf32>
    %add3A_297 = arith.constant 1.000000e+00 : f32
    %add3A_298 = vector.broadcast %add3A_297 : f32 to vector<3200x64xf32>
    %add3A_299 = arith.addf %add3A_298, %exp3A_296 : vector<3200x64xf32>
    %log3A_300 = math.log %add3A_299 : vector<3200x64xf32>
    %sub3A_301 = arith.constant 0.693147182 : f32
    %sub3A_302 = vector.broadcast %sub3A_301 : f32 to vector<3200x64xf32>
    %sub3A_303 = arith.subf %log3A_300, %sub3A_302 : vector<3200x64xf32>
    %dot_general3A_304 = arith.constant dense<0.000000e+00> : vector<3200x64xf32>
    %dot_general3A_305 = tpu.matmul %sub3A_303, %get3A_55, %dot_general3A_304 {dimension_numbers = #tpu.dot_dimension_numbers<[1], [0], [0], [1], [0, 0, 1, 1], [], []>, transpose_lhs_hint = false} : vector<3200x64xf32>, vector<64x64xf32>, vector<3200x64xf32> -> vector<3200x64xf32>
    %add3A_306 = vector.broadcast %get3A_58 : vector<1x64xf32> to vector<3200x64xf32>
    %add3A_307 = arith.addf %dot_general3A_305, %add3A_306 : vector<3200x64xf32>
    %exp3A_308 = math.exp %add3A_307 : vector<3200x64xf32>
    %add3A_309 = arith.constant 1.000000e+00 : f32
    %add3A_310 = vector.broadcast %add3A_309 : f32 to vector<3200x64xf32>
    %add3A_311 = arith.addf %add3A_310, %exp3A_308 : vector<3200x64xf32>
    %log3A_312 = math.log %add3A_311 : vector<3200x64xf32>
    %sub3A_313 = arith.constant 0.693147182 : f32
    %sub3A_314 = vector.broadcast %sub3A_313 : f32 to vector<3200x64xf32>
    %sub3A_315 = arith.subf %log3A_312, %sub3A_314 : vector<3200x64xf32>
    %dot_general3A_316 = arith.constant dense<0.000000e+00> : vector<3200x32xf32>
    %dot_general3A_317 = tpu.matmul %sub3A_315, %get3A_61, %dot_general3A_316 {dimension_numbers = #tpu.dot_dimension_numbers<[1], [0], [0], [1], [0, 0, 1, 1], [], []>, transpose_lhs_hint = false} : vector<3200x64xf32>, vector<64x32xf32>, vector<3200x32xf32> -> vector<3200x32xf32>
    %add3A_318 = vector.broadcast %get3A_64 : vector<1x32xf32> to vector<3200x32xf32>
    %add3A_319 = arith.addf %dot_general3A_317, %add3A_318 : vector<3200x32xf32>
    %exp3A_320 = math.exp %add3A_319 : vector<3200x32xf32>
    %add3A_321 = arith.constant 1.000000e+00 : f32
    %add3A_322 = vector.broadcast %add3A_321 : f32 to vector<3200x32xf32>
    %add3A_323 = arith.addf %add3A_322, %exp3A_320 : vector<3200x32xf32>
    %log3A_324 = math.log %add3A_323 : vector<3200x32xf32>
    %sub3A_325 = arith.constant 0.693147182 : f32
    %sub3A_326 = vector.broadcast %sub3A_325 : f32 to vector<3200x32xf32>
    %sub3A_327 = arith.subf %log3A_324, %sub3A_326 : vector<3200x32xf32>
    %slice3A_328 = vector.extract_strided_slice %sub3A_274 {offsets = [0, 0, 0], sizes = [2, 1600, 1], strides = [1, 1, 1]} : vector<2x1600x2xi32> to vector<2x1600x1xi32>
    %squeeze3A = vector.shape_cast %slice3A_328 : vector<2x1600x1xi32> to vector<2x1600xi32>
    %reshape3A_329 = vector.shape_cast %squeeze3A : vector<2x1600xi32> to vector<1x3200xi32>
    %iota3A_330 = tpu.iota {dimensions = array<i32: 0>} : vector<200x3200xi32>
    %eq3A_331 = vector.broadcast %reshape3A_329 : vector<1x3200xi32> to vector<200x3200xi32>
    %eq3A_332 = arith.cmpi eq, %iota3A_330, %eq3A_331 : vector<200x3200xi32>
    %convert_element_type3A_333 = arith.extui %eq3A_332 : vector<200x3200xi1> to vector<200x3200xi32>
    %convert_element_type3A_334 = arith.sitofp %convert_element_type3A_333 : vector<200x3200xi32> to vector<200x3200xf32>
    %dot_general3A_335 = arith.constant dense<0.000000e+00> : vector<200x32xf32>
    %dot_general3A_336 = tpu.matmul %convert_element_type3A_334, %sub3A_327, %dot_general3A_335 {dimension_numbers = #tpu.dot_dimension_numbers<[1], [0], [0], [1], [0, 0, 1, 1], [], []>, transpose_lhs_hint = false} : vector<200x3200xf32>, vector<3200x32xf32>, vector<200x32xf32> -> vector<200x32xf32>
    %concatenate3A_337 = tpu.concatenate %dot_general3A_336, %sub3A_193, %reshape3A_268 in 1 : vector<200x32xf32>, vector<200x32xf32>, vector<200x32xf32> -> vector<200x96xf32>
    %dot_general3A_338 = arith.constant dense<0.000000e+00> : vector<200x64xf32>
    %dot_general3A_339 = tpu.matmul %concatenate3A_337, %get3A_85, %dot_general3A_338 {dimension_numbers = #tpu.dot_dimension_numbers<[1], [0], [0], [1], [0, 0, 1, 1], [], []>, transpose_lhs_hint = false} : vector<200x96xf32>, vector<96x64xf32>, vector<200x64xf32> -> vector<200x64xf32>
    %add3A_340 = vector.broadcast %get3A_88 : vector<1x64xf32> to vector<200x64xf32>
    %add3A_341 = arith.addf %dot_general3A_339, %add3A_340 : vector<200x64xf32>
    %exp3A_342 = math.exp %add3A_341 : vector<200x64xf32>
    %add3A_343 = arith.constant 1.000000e+00 : f32
    %add3A_344 = vector.broadcast %add3A_343 : f32 to vector<200x64xf32>
    %add3A_345 = arith.addf %add3A_344, %exp3A_342 : vector<200x64xf32>
    %log3A_346 = math.log %add3A_345 : vector<200x64xf32>
    %sub3A_347 = arith.constant 0.693147182 : f32
    %sub3A_348 = vector.broadcast %sub3A_347 : f32 to vector<200x64xf32>
    %sub3A_349 = arith.subf %log3A_346, %sub3A_348 : vector<200x64xf32>
    %dot_general3A_350 = arith.constant dense<0.000000e+00> : vector<200x64xf32>
    %dot_general3A_351 = tpu.matmul %sub3A_349, %get3A_91, %dot_general3A_350 {dimension_numbers = #tpu.dot_dimension_numbers<[1], [0], [0], [1], [0, 0, 1, 1], [], []>, transpose_lhs_hint = false} : vector<200x64xf32>, vector<64x64xf32>, vector<200x64xf32> -> vector<200x64xf32>
    %add3A_352 = vector.broadcast %get3A_94 : vector<1x64xf32> to vector<200x64xf32>
    %add3A_353 = arith.addf %dot_general3A_351, %add3A_352 : vector<200x64xf32>
    %exp3A_354 = math.exp %add3A_353 : vector<200x64xf32>
    %add3A_355 = arith.constant 1.000000e+00 : f32
    %add3A_356 = vector.broadcast %add3A_355 : f32 to vector<200x64xf32>
    %add3A_357 = arith.addf %add3A_356, %exp3A_354 : vector<200x64xf32>
    %log3A_358 = math.log %add3A_357 : vector<200x64xf32>
    %sub3A_359 = arith.constant 0.693147182 : f32
    %sub3A_360 = vector.broadcast %sub3A_359 : f32 to vector<200x64xf32>
    %sub3A_361 = arith.subf %log3A_358, %sub3A_360 : vector<200x64xf32>
    %dot_general3A_362 = arith.constant dense<0.000000e+00> : vector<200x32xf32>
    %dot_general3A_363 = tpu.matmul %sub3A_361, %get3A_97, %dot_general3A_362 {dimension_numbers = #tpu.dot_dimension_numbers<[1], [0], [0], [1], [0, 0, 1, 1], [], []>, transpose_lhs_hint = false} : vector<200x64xf32>, vector<64x32xf32>, vector<200x32xf32> -> vector<200x32xf32>
    %add3A_364 = vector.broadcast %get3A_100 : vector<1x32xf32> to vector<200x32xf32>
    %add3A_365 = arith.addf %dot_general3A_363, %add3A_364 : vector<200x32xf32>
    %exp3A_366 = math.exp %add3A_365 : vector<200x32xf32>
    %add3A_367 = arith.constant 1.000000e+00 : f32
    %add3A_368 = vector.broadcast %add3A_367 : f32 to vector<200x32xf32>
    %add3A_369 = arith.addf %add3A_368, %exp3A_366 : vector<200x32xf32>
    %log3A_370 = math.log %add3A_369 : vector<200x32xf32>
    %sub3A_371 = arith.constant 0.693147182 : f32
    %sub3A_372 = vector.broadcast %sub3A_371 : f32 to vector<200x32xf32>
    %sub3A_373 = arith.subf %log3A_370, %sub3A_372 : vector<200x32xf32>
    %reshape3A_374 = vector.shape_cast %sub3A_327 : vector<3200x32xf32> to vector<2x1600x32xf32>
    %reduce_sum3A = arith.constant dense<0.000000e+00> : vector<2x32xf32>
    %reduce_sum3A_375 = vector.multi_reduction <add>, %reshape3A_374, %reduce_sum3A [1] : vector<2x1600x32xf32> to vector<2x32xf32>
    %reshape3A_376 = vector.shape_cast %sub3A_373 : vector<200x32xf32> to vector<2x100x32xf32>
    %reduce_sum3A_377 = arith.constant dense<0.000000e+00> : vector<2x32xf32>
    %reduce_sum3A_378 = vector.multi_reduction <add>, %reshape3A_376, %reduce_sum3A_377 [1] : vector<2x100x32xf32> to vector<2x32xf32>
    %concatenate3A_379 = tpu.concatenate %reduce_sum3A_375, %reduce_sum3A_378, %sub3A_217 in 1 : vector<2x32xf32>, vector<2x32xf32>, vector<2x32xf32> -> vector<2x96xf32>
    %dot_general3A_380 = arith.constant dense<0.000000e+00> : vector<2x64xf32>
    %dot_general3A_381 = tpu.matmul %concatenate3A_379, %get3A_121, %dot_general3A_380 {dimension_numbers = #tpu.dot_dimension_numbers<[1], [0], [0], [1], [0, 0, 1, 1], [], []>, transpose_lhs_hint = false} : vector<2x96xf32>, vector<96x64xf32>, vector<2x64xf32> -> vector<2x64xf32>
    %add3A_382 = vector.broadcast %get3A_124 : vector<1x64xf32> to vector<2x64xf32>
    %add3A_383 = arith.addf %dot_general3A_381, %add3A_382 : vector<2x64xf32>
    %max3A = arith.constant 0.000000e+00 : f32
    %max3A_384 = vector.broadcast %max3A : f32 to vector<2x64xf32>
    %max3A_385 = arith.maximumf %add3A_383, %max3A_384 : vector<2x64xf32>
    %abs3A = math.absf %add3A_383 : vector<2x64xf32>
    %neg3A = arith.constant 0.000000e+00 : f32
    %neg3A_386 = vector.broadcast %neg3A : f32 to vector<2x64xf32>
    %neg3A_387 = arith.subf %neg3A_386, %abs3A : vector<2x64xf32>
    %exp3A_388 = math.exp %neg3A_387 : vector<2x64xf32>
    %add3A_389 = arith.constant 1.000000e+00 : f32
    %add3A_390 = vector.broadcast %add3A_389 : f32 to vector<2x64xf32>
    %add3A_391 = arith.addf %add3A_390, %exp3A_388 : vector<2x64xf32>
    %log3A_392 = math.log %add3A_391 : vector<2x64xf32>
    %add3A_393 = arith.addf %max3A_385, %log3A_392 : vector<2x64xf32>
    %sub3A_394 = arith.constant 0.693147182 : f32
    %sub3A_395 = vector.broadcast %sub3A_394 : f32 to vector<2x64xf32>
    %sub3A_396 = arith.subf %add3A_393, %sub3A_395 : vector<2x64xf32>
    %dot_general3A_397 = arith.constant dense<0.000000e+00> : vector<2x64xf32>
    %dot_general3A_398 = tpu.matmul %sub3A_396, %get3A_127, %dot_general3A_397 {dimension_numbers = #tpu.dot_dimension_numbers<[1], [0], [0], [1], [0, 0, 1, 1], [], []>, transpose_lhs_hint = false} : vector<2x64xf32>, vector<64x64xf32>, vector<2x64xf32> -> vector<2x64xf32>
    %add3A_399 = vector.broadcast %get3A_130 : vector<1x64xf32> to vector<2x64xf32>
    %add3A_400 = arith.addf %dot_general3A_398, %add3A_399 : vector<2x64xf32>
    %max3A_401 = arith.constant 0.000000e+00 : f32
    %max3A_402 = vector.broadcast %max3A_401 : f32 to vector<2x64xf32>
    %max3A_403 = arith.maximumf %add3A_400, %max3A_402 : vector<2x64xf32>
    %abs3A_404 = math.absf %add3A_400 : vector<2x64xf32>
    %neg3A_405 = arith.constant 0.000000e+00 : f32
    %neg3A_406 = vector.broadcast %neg3A_405 : f32 to vector<2x64xf32>
    %neg3A_407 = arith.subf %neg3A_406, %abs3A_404 : vector<2x64xf32>
    %exp3A_408 = math.exp %neg3A_407 : vector<2x64xf32>
    %add3A_409 = arith.constant 1.000000e+00 : f32
    %add3A_410 = vector.broadcast %add3A_409 : f32 to vector<2x64xf32>
    %add3A_411 = arith.addf %add3A_410, %exp3A_408 : vector<2x64xf32>
    %log3A_412 = math.log %add3A_411 : vector<2x64xf32>
    %add3A_413 = arith.addf %max3A_403, %log3A_412 : vector<2x64xf32>
    %sub3A_414 = arith.constant 0.693147182 : f32
    %sub3A_415 = vector.broadcast %sub3A_414 : f32 to vector<2x64xf32>
    %sub3A_416 = arith.subf %add3A_413, %sub3A_415 : vector<2x64xf32>
    %dot_general3A_417 = arith.constant dense<0.000000e+00> : vector<2x32xf32>
    %dot_general3A_418 = tpu.matmul %sub3A_416, %get3A_133, %dot_general3A_417 {dimension_numbers = #tpu.dot_dimension_numbers<[1], [0], [0], [1], [0, 0, 1, 1], [], []>, transpose_lhs_hint = false} : vector<2x64xf32>, vector<64x32xf32>, vector<2x32xf32> -> vector<2x32xf32>
    %add3A_419 = vector.broadcast %get3A_136 : vector<1x32xf32> to vector<2x32xf32>
    %add3A_420 = arith.addf %dot_general3A_418, %add3A_419 : vector<2x32xf32>
    %max3A_421 = arith.constant 0.000000e+00 : f32
    %max3A_422 = vector.broadcast %max3A_421 : f32 to vector<2x32xf32>
    %max3A_423 = arith.maximumf %add3A_420, %max3A_422 : vector<2x32xf32>
    %abs3A_424 = math.absf %add3A_420 : vector<2x32xf32>
    %neg3A_425 = arith.constant 0.000000e+00 : f32
    %neg3A_426 = vector.broadcast %neg3A_425 : f32 to vector<2x32xf32>
    %neg3A_427 = arith.subf %neg3A_426, %abs3A_424 : vector<2x32xf32>
    %exp3A_428 = math.exp %neg3A_427 : vector<2x32xf32>
    %add3A_429 = arith.constant 1.000000e+00 : f32
    %add3A_430 = vector.broadcast %add3A_429 : f32 to vector<2x32xf32>
    %add3A_431 = arith.addf %add3A_430, %exp3A_428 : vector<2x32xf32>
    %log3A_432 = math.log %add3A_431 : vector<2x32xf32>
    %add3A_433 = arith.addf %max3A_423, %log3A_432 : vector<2x32xf32>
    %sub3A_434 = arith.constant 0.693147182 : f32
    %sub3A_435 = vector.broadcast %sub3A_434 : f32 to vector<2x32xf32>
    %sub3A_436 = arith.subf %add3A_433, %sub3A_435 : vector<2x32xf32>
    %get3A_437 = arith.constant 0 : index
    %get3A_438 = arith.constant 0 : index
    %get3A_439 = arith.constant 0 : index
    %get3A_440 = vector.load %arg6[%get3A_437, %get3A_438, %get3A_439] : memref<2x800x2xi32, #tpu.memory_space<vmem>>, vector<2x800x2xi32>
    %sub3A_441 = vector.broadcast %mul3A_155 : i32 to vector<2x800x2xi32>
    %sub3A_442 = arith.subi %get3A_440, %sub3A_441 : vector<2x800x2xi32>
    %iota3A_443 = tpu.iota {dimensions = array<i32: 2>} : vector<2x800x200xi32>
    %slice3A_444 = vector.extract_strided_slice %sub3A_442 {offsets = [0, 0, 0], sizes = [2, 800, 1], strides = [1, 1, 1]} : vector<2x800x2xi32> to vector<2x800x1xi32>
    %eq3A_445 = vector.broadcast %slice3A_444 : vector<2x800x1xi32> to vector<2x800x200xi32>
    %eq3A_446 = arith.cmpi eq, %eq3A_445, %iota3A_443 : vector<2x800x200xi32>
    %convert_element_type3A_447 = arith.extui %eq3A_446 : vector<2x800x200xi1> to vector<2x800x200xi32>
    %convert_element_type3A_448 = arith.sitofp %convert_element_type3A_447 : vector<2x800x200xi32> to vector<2x800x200xf32>
    %reshape3A_449 = vector.shape_cast %convert_element_type3A_448 : vector<2x800x200xf32> to vector<1600x200xf32>
    %slice3A_450 = vector.extract_strided_slice %sub3A_442 {offsets = [0, 0, 1], sizes = [2, 800, 1], strides = [1, 1, 1]} : vector<2x800x2xi32> to vector<2x800x1xi32>
    %eq3A_451 = vector.broadcast %slice3A_450 : vector<2x800x1xi32> to vector<2x800x200xi32>
    %eq3A_452 = arith.cmpi eq, %eq3A_451, %iota3A_443 : vector<2x800x200xi32>
    %convert_element_type3A_453 = arith.extui %eq3A_452 : vector<2x800x200xi1> to vector<2x800x200xi32>
    %convert_element_type3A_454 = arith.sitofp %convert_element_type3A_453 : vector<2x800x200xi32> to vector<2x800x200xf32>
    %reshape3A_455 = vector.shape_cast %convert_element_type3A_454 : vector<2x800x200xf32> to vector<1600x200xf32>
    %dot_general3A_456 = arith.constant dense<0.000000e+00> : vector<1600x32xf32>
    %dot_general3A_457 = tpu.matmul %reshape3A_449, %sub3A_193, %dot_general3A_456 {dimension_numbers = #tpu.dot_dimension_numbers<[1], [0], [0], [1], [0, 0, 1, 1], [], []>, transpose_lhs_hint = false} : vector<1600x200xf32>, vector<200x32xf32>, vector<1600x32xf32> -> vector<1600x32xf32>
    %dot_general3A_458 = arith.constant dense<0.000000e+00> : vector<1600x32xf32>
    %dot_general3A_459 = tpu.matmul %reshape3A_455, %sub3A_193, %dot_general3A_458 {dimension_numbers = #tpu.dot_dimension_numbers<[1], [0], [0], [1], [0, 0, 1, 1], [], []>, transpose_lhs_hint = false} : vector<1600x200xf32>, vector<200x32xf32>, vector<1600x32xf32> -> vector<1600x32xf32>
    %broadcast_in_dim3A_460 = vector.shape_cast %sub3A_217 : vector<2x32xf32> to vector<2x1x32xf32>
    %broadcast_in_dim3A_461 = vector.shape_cast %broadcast_in_dim3A_460 : vector<2x1x32xf32> to vector<2x1x32xf32>
    %broadcast_in_dim3A_462 = vector.broadcast %broadcast_in_dim3A_461 : vector<2x1x32xf32> to vector<2x800x32xf32>
    %reshape3A_463 = vector.shape_cast %broadcast_in_dim3A_462 : vector<2x800x32xf32> to vector<1600x32xf32>
    %concatenate3A_464 = tpu.concatenate %dot_general3A_457, %sub3A_265, %dot_general3A_459, %reshape3A_463 in 1 : vector<1600x32xf32>, vector<1600x32xf32>, vector<1600x32xf32>, vector<1600x32xf32> -> vector<1600x128xf32>
    %dot_general3A_465 = arith.constant dense<0.000000e+00> : vector<1600x64xf32>
    %dot_general3A_466 = tpu.matmul %concatenate3A_464, %get3A_67, %dot_general3A_465 {dimension_numbers = #tpu.dot_dimension_numbers<[1], [0], [0], [1], [0, 0, 1, 1], [], []>, transpose_lhs_hint = false} : vector<1600x128xf32>, vector<128x64xf32>, vector<1600x64xf32> -> vector<1600x64xf32>
    %add3A_467 = vector.broadcast %get3A_70 : vector<1x64xf32> to vector<1600x64xf32>
    %add3A_468 = arith.addf %dot_general3A_466, %add3A_467 : vector<1600x64xf32>
    %exp3A_469 = math.exp %add3A_468 : vector<1600x64xf32>
    %add3A_470 = arith.constant 1.000000e+00 : f32
    %add3A_471 = vector.broadcast %add3A_470 : f32 to vector<1600x64xf32>
    %add3A_472 = arith.addf %add3A_471, %exp3A_469 : vector<1600x64xf32>
    %log3A_473 = math.log %add3A_472 : vector<1600x64xf32>
    %sub3A_474 = arith.constant 0.693147182 : f32
    %sub3A_475 = vector.broadcast %sub3A_474 : f32 to vector<1600x64xf32>
    %sub3A_476 = arith.subf %log3A_473, %sub3A_475 : vector<1600x64xf32>
    %dot_general3A_477 = arith.constant dense<0.000000e+00> : vector<1600x64xf32>
    %dot_general3A_478 = tpu.matmul %sub3A_476, %get3A_73, %dot_general3A_477 {dimension_numbers = #tpu.dot_dimension_numbers<[1], [0], [0], [1], [0, 0, 1, 1], [], []>, transpose_lhs_hint = false} : vector<1600x64xf32>, vector<64x64xf32>, vector<1600x64xf32> -> vector<1600x64xf32>
    %add3A_479 = vector.broadcast %get3A_76 : vector<1x64xf32> to vector<1600x64xf32>
    %add3A_480 = arith.addf %dot_general3A_478, %add3A_479 : vector<1600x64xf32>
    %exp3A_481 = math.exp %add3A_480 : vector<1600x64xf32>
    %add3A_482 = arith.constant 1.000000e+00 : f32
    %add3A_483 = vector.broadcast %add3A_482 : f32 to vector<1600x64xf32>
    %add3A_484 = arith.addf %add3A_483, %exp3A_481 : vector<1600x64xf32>
    %log3A_485 = math.log %add3A_484 : vector<1600x64xf32>
    %sub3A_486 = arith.constant 0.693147182 : f32
    %sub3A_487 = vector.broadcast %sub3A_486 : f32 to vector<1600x64xf32>
    %sub3A_488 = arith.subf %log3A_485, %sub3A_487 : vector<1600x64xf32>
    %dot_general3A_489 = arith.constant dense<0.000000e+00> : vector<1600x32xf32>
    %dot_general3A_490 = tpu.matmul %sub3A_488, %get3A_79, %dot_general3A_489 {dimension_numbers = #tpu.dot_dimension_numbers<[1], [0], [0], [1], [0, 0, 1, 1], [], []>, transpose_lhs_hint = false} : vector<1600x64xf32>, vector<64x32xf32>, vector<1600x32xf32> -> vector<1600x32xf32>
    %add3A_491 = vector.broadcast %get3A_82 : vector<1x32xf32> to vector<1600x32xf32>
    %add3A_492 = arith.addf %dot_general3A_490, %add3A_491 : vector<1600x32xf32>
    %exp3A_493 = math.exp %add3A_492 : vector<1600x32xf32>
    %add3A_494 = arith.constant 1.000000e+00 : f32
    %add3A_495 = vector.broadcast %add3A_494 : f32 to vector<1600x32xf32>
    %add3A_496 = arith.addf %add3A_495, %exp3A_493 : vector<1600x32xf32>
    %log3A_497 = math.log %add3A_496 : vector<1600x32xf32>
    %sub3A_498 = arith.constant 0.693147182 : f32
    %sub3A_499 = vector.broadcast %sub3A_498 : f32 to vector<1600x32xf32>
    %sub3A_500 = arith.subf %log3A_497, %sub3A_499 : vector<1600x32xf32>
    %slice3A_501 = vector.extract_strided_slice %sub3A_442 {offsets = [0, 0, 0], sizes = [2, 800, 1], strides = [1, 1, 1]} : vector<2x800x2xi32> to vector<2x800x1xi32>
    %squeeze3A_502 = vector.shape_cast %slice3A_501 : vector<2x800x1xi32> to vector<2x800xi32>
    %reshape3A_503 = vector.shape_cast %squeeze3A_502 : vector<2x800xi32> to vector<1x1600xi32>
    %iota3A_504 = tpu.iota {dimensions = array<i32: 0>} : vector<200x1600xi32>
    %eq3A_505 = vector.broadcast %reshape3A_503 : vector<1x1600xi32> to vector<200x1600xi32>
    %eq3A_506 = arith.cmpi eq, %iota3A_504, %eq3A_505 : vector<200x1600xi32>
    %convert_element_type3A_507 = arith.extui %eq3A_506 : vector<200x1600xi1> to vector<200x1600xi32>
    %convert_element_type3A_508 = arith.sitofp %convert_element_type3A_507 : vector<200x1600xi32> to vector<200x1600xf32>
    %dot_general3A_509 = arith.constant dense<0.000000e+00> : vector<200x32xf32>
    %dot_general3A_510 = tpu.matmul %convert_element_type3A_508, %sub3A_500, %dot_general3A_509 {dimension_numbers = #tpu.dot_dimension_numbers<[1], [0], [0], [1], [0, 0, 1, 1], [], []>, transpose_lhs_hint = false} : vector<200x1600xf32>, vector<1600x32xf32>, vector<200x32xf32> -> vector<200x32xf32>
    %concatenate3A_511 = tpu.concatenate %dot_general3A_510, %sub3A_193, %reshape3A_268 in 1 : vector<200x32xf32>, vector<200x32xf32>, vector<200x32xf32> -> vector<200x96xf32>
    %dot_general3A_512 = arith.constant dense<0.000000e+00> : vector<200x64xf32>
    %dot_general3A_513 = tpu.matmul %concatenate3A_511, %get3A_103, %dot_general3A_512 {dimension_numbers = #tpu.dot_dimension_numbers<[1], [0], [0], [1], [0, 0, 1, 1], [], []>, transpose_lhs_hint = false} : vector<200x96xf32>, vector<96x64xf32>, vector<200x64xf32> -> vector<200x64xf32>
    %add3A_514 = vector.broadcast %get3A_106 : vector<1x64xf32> to vector<200x64xf32>
    %add3A_515 = arith.addf %dot_general3A_513, %add3A_514 : vector<200x64xf32>
    %exp3A_516 = math.exp %add3A_515 : vector<200x64xf32>
    %add3A_517 = arith.constant 1.000000e+00 : f32
    %add3A_518 = vector.broadcast %add3A_517 : f32 to vector<200x64xf32>
    %add3A_519 = arith.addf %add3A_518, %exp3A_516 : vector<200x64xf32>
    %log3A_520 = math.log %add3A_519 : vector<200x64xf32>
    %sub3A_521 = arith.constant 0.693147182 : f32
    %sub3A_522 = vector.broadcast %sub3A_521 : f32 to vector<200x64xf32>
    %sub3A_523 = arith.subf %log3A_520, %sub3A_522 : vector<200x64xf32>
    %dot_general3A_524 = arith.constant dense<0.000000e+00> : vector<200x64xf32>
    %dot_general3A_525 = tpu.matmul %sub3A_523, %get3A_109, %dot_general3A_524 {dimension_numbers = #tpu.dot_dimension_numbers<[1], [0], [0], [1], [0, 0, 1, 1], [], []>, transpose_lhs_hint = false} : vector<200x64xf32>, vector<64x64xf32>, vector<200x64xf32> -> vector<200x64xf32>
    %add3A_526 = vector.broadcast %get3A_112 : vector<1x64xf32> to vector<200x64xf32>
    %add3A_527 = arith.addf %dot_general3A_525, %add3A_526 : vector<200x64xf32>
    %exp3A_528 = math.exp %add3A_527 : vector<200x64xf32>
    %add3A_529 = arith.constant 1.000000e+00 : f32
    %add3A_530 = vector.broadcast %add3A_529 : f32 to vector<200x64xf32>
    %add3A_531 = arith.addf %add3A_530, %exp3A_528 : vector<200x64xf32>
    %log3A_532 = math.log %add3A_531 : vector<200x64xf32>
    %sub3A_533 = arith.constant 0.693147182 : f32
    %sub3A_534 = vector.broadcast %sub3A_533 : f32 to vector<200x64xf32>
    %sub3A_535 = arith.subf %log3A_532, %sub3A_534 : vector<200x64xf32>
    %dot_general3A_536 = arith.constant dense<0.000000e+00> : vector<200x32xf32>
    %dot_general3A_537 = tpu.matmul %sub3A_535, %get3A_115, %dot_general3A_536 {dimension_numbers = #tpu.dot_dimension_numbers<[1], [0], [0], [1], [0, 0, 1, 1], [], []>, transpose_lhs_hint = false} : vector<200x64xf32>, vector<64x32xf32>, vector<200x32xf32> -> vector<200x32xf32>
    %add3A_538 = vector.broadcast %get3A_118 : vector<1x32xf32> to vector<200x32xf32>
    %add3A_539 = arith.addf %dot_general3A_537, %add3A_538 : vector<200x32xf32>
    %exp3A_540 = math.exp %add3A_539 : vector<200x32xf32>
    %add3A_541 = arith.constant 1.000000e+00 : f32
    %add3A_542 = vector.broadcast %add3A_541 : f32 to vector<200x32xf32>
    %add3A_543 = arith.addf %add3A_542, %exp3A_540 : vector<200x32xf32>
    %log3A_544 = math.log %add3A_543 : vector<200x32xf32>
    %sub3A_545 = arith.constant 0.693147182 : f32
    %sub3A_546 = vector.broadcast %sub3A_545 : f32 to vector<200x32xf32>
    %sub3A_547 = arith.subf %log3A_544, %sub3A_546 : vector<200x32xf32>
    %reshape3A_548 = vector.shape_cast %sub3A_500 : vector<1600x32xf32> to vector<2x800x32xf32>
    %reduce_sum3A_549 = arith.constant dense<0.000000e+00> : vector<2x32xf32>
    %reduce_sum3A_550 = vector.multi_reduction <add>, %reshape3A_548, %reduce_sum3A_549 [1] : vector<2x800x32xf32> to vector<2x32xf32>
    %reshape3A_551 = vector.shape_cast %sub3A_547 : vector<200x32xf32> to vector<2x100x32xf32>
    %reduce_sum3A_552 = arith.constant dense<0.000000e+00> : vector<2x32xf32>
    %reduce_sum3A_553 = vector.multi_reduction <add>, %reshape3A_551, %reduce_sum3A_552 [1] : vector<2x100x32xf32> to vector<2x32xf32>
    %concatenate3A_554 = tpu.concatenate %reduce_sum3A_550, %reduce_sum3A_553, %sub3A_217 in 1 : vector<2x32xf32>, vector<2x32xf32>, vector<2x32xf32> -> vector<2x96xf32>
    %dot_general3A_555 = arith.constant dense<0.000000e+00> : vector<2x64xf32>
    %dot_general3A_556 = tpu.matmul %concatenate3A_554, %get3A_139, %dot_general3A_555 {dimension_numbers = #tpu.dot_dimension_numbers<[1], [0], [0], [1], [0, 0, 1, 1], [], []>, transpose_lhs_hint = false} : vector<2x96xf32>, vector<96x64xf32>, vector<2x64xf32> -> vector<2x64xf32>
    %add3A_557 = vector.broadcast %get3A_142 : vector<1x64xf32> to vector<2x64xf32>
    %add3A_558 = arith.addf %dot_general3A_556, %add3A_557 : vector<2x64xf32>
    %max3A_559 = arith.constant 0.000000e+00 : f32
    %max3A_560 = vector.broadcast %max3A_559 : f32 to vector<2x64xf32>
    %max3A_561 = arith.maximumf %add3A_558, %max3A_560 : vector<2x64xf32>
    %abs3A_562 = math.absf %add3A_558 : vector<2x64xf32>
    %neg3A_563 = arith.constant 0.000000e+00 : f32
    %neg3A_564 = vector.broadcast %neg3A_563 : f32 to vector<2x64xf32>
    %neg3A_565 = arith.subf %neg3A_564, %abs3A_562 : vector<2x64xf32>
    %exp3A_566 = math.exp %neg3A_565 : vector<2x64xf32>
    %add3A_567 = arith.constant 1.000000e+00 : f32
    %add3A_568 = vector.broadcast %add3A_567 : f32 to vector<2x64xf32>
    %add3A_569 = arith.addf %add3A_568, %exp3A_566 : vector<2x64xf32>
    %log3A_570 = math.log %add3A_569 : vector<2x64xf32>
    %add3A_571 = arith.addf %max3A_561, %log3A_570 : vector<2x64xf32>
    %sub3A_572 = arith.constant 0.693147182 : f32
    %sub3A_573 = vector.broadcast %sub3A_572 : f32 to vector<2x64xf32>
    %sub3A_574 = arith.subf %add3A_571, %sub3A_573 : vector<2x64xf32>
    %dot_general3A_575 = arith.constant dense<0.000000e+00> : vector<2x64xf32>
    %dot_general3A_576 = tpu.matmul %sub3A_574, %get3A_145, %dot_general3A_575 {dimension_numbers = #tpu.dot_dimension_numbers<[1], [0], [0], [1], [0, 0, 1, 1], [], []>, transpose_lhs_hint = false} : vector<2x64xf32>, vector<64x64xf32>, vector<2x64xf32> -> vector<2x64xf32>
    %add3A_577 = vector.broadcast %get3A_148 : vector<1x64xf32> to vector<2x64xf32>
    %add3A_578 = arith.addf %dot_general3A_576, %add3A_577 : vector<2x64xf32>
    %max3A_579 = arith.constant 0.000000e+00 : f32
    %max3A_580 = vector.broadcast %max3A_579 : f32 to vector<2x64xf32>
    %max3A_581 = arith.maximumf %add3A_578, %max3A_580 : vector<2x64xf32>
    %abs3A_582 = math.absf %add3A_578 : vector<2x64xf32>
    %neg3A_583 = arith.constant 0.000000e+00 : f32
    %neg3A_584 = vector.broadcast %neg3A_583 : f32 to vector<2x64xf32>
    %neg3A_585 = arith.subf %neg3A_584, %abs3A_582 : vector<2x64xf32>
    %exp3A_586 = math.exp %neg3A_585 : vector<2x64xf32>
    %add3A_587 = arith.constant 1.000000e+00 : f32
    %add3A_588 = vector.broadcast %add3A_587 : f32 to vector<2x64xf32>
    %add3A_589 = arith.addf %add3A_588, %exp3A_586 : vector<2x64xf32>
    %log3A_590 = math.log %add3A_589 : vector<2x64xf32>
    %add3A_591 = arith.addf %max3A_581, %log3A_590 : vector<2x64xf32>
    %sub3A_592 = arith.constant 0.693147182 : f32
    %sub3A_593 = vector.broadcast %sub3A_592 : f32 to vector<2x64xf32>
    %sub3A_594 = arith.subf %add3A_591, %sub3A_593 : vector<2x64xf32>
    %dot_general3A_595 = arith.constant dense<0.000000e+00> : vector<2x32xf32>
    %dot_general3A_596 = tpu.matmul %sub3A_594, %get3A_151, %dot_general3A_595 {dimension_numbers = #tpu.dot_dimension_numbers<[1], [0], [0], [1], [0, 0, 1, 1], [], []>, transpose_lhs_hint = false} : vector<2x64xf32>, vector<64x32xf32>, vector<2x32xf32> -> vector<2x32xf32>
    %add3A_597 = vector.broadcast %get3A_154 : vector<1x32xf32> to vector<2x32xf32>
    %add3A_598 = arith.addf %dot_general3A_596, %add3A_597 : vector<2x32xf32>
    %max3A_599 = arith.constant 0.000000e+00 : f32
    %max3A_600 = vector.broadcast %max3A_599 : f32 to vector<2x32xf32>
    %max3A_601 = arith.maximumf %add3A_598, %max3A_600 : vector<2x32xf32>
    %abs3A_602 = math.absf %add3A_598 : vector<2x32xf32>
    %neg3A_603 = arith.constant 0.000000e+00 : f32
    %neg3A_604 = vector.broadcast %neg3A_603 : f32 to vector<2x32xf32>
    %neg3A_605 = arith.subf %neg3A_604, %abs3A_602 : vector<2x32xf32>
    %exp3A_606 = math.exp %neg3A_605 : vector<2x32xf32>
    %add3A_607 = arith.constant 1.000000e+00 : f32
    %add3A_608 = vector.broadcast %add3A_607 : f32 to vector<2x32xf32>
    %add3A_609 = arith.addf %add3A_608, %exp3A_606 : vector<2x32xf32>
    %log3A_610 = math.log %add3A_609 : vector<2x32xf32>
    %add3A_611 = arith.addf %max3A_601, %log3A_610 : vector<2x32xf32>
    %sub3A_612 = arith.constant 0.693147182 : f32
    %sub3A_613 = vector.broadcast %sub3A_612 : f32 to vector<2x32xf32>
    %sub3A_614 = arith.subf %add3A_611, %sub3A_613 : vector<2x32xf32>
    %add3A_615 = arith.addf %reshape3A_169, %sub3A_327 : vector<3200x32xf32>
    %reshape3A_616 = vector.shape_cast %add3A_615 : vector<3200x32xf32> to vector<2x1600x32xf32>
    %swap3A = arith.constant 0 : index
    %swap3A_617 = arith.constant 0 : index
    %swap3A_618 = arith.constant 0 : index
    %swap3A_619 = vector.load %arg59[%swap3A, %swap3A_617, %swap3A_618] : memref<2x1600x32xf32, #tpu.memory_space<vmem>>, vector<2x1600x32xf32>
    tpu.vector_store %arg59[%swap3A, %swap3A_617, %swap3A_618], %reshape3A_616 {strides = array<i32>} : memref<2x1600x32xf32, #tpu.memory_space<vmem>>, vector<2x1600x32xf32>,
    %add3A_620 = arith.addf %reshape3A_174, %sub3A_500 : vector<1600x32xf32>
    %reshape3A_621 = vector.shape_cast %add3A_620 : vector<1600x32xf32> to vector<2x800x32xf32>
    %swap3A_622 = arith.constant 0 : index
    %swap3A_623 = arith.constant 0 : index
    %swap3A_624 = arith.constant 0 : index
    %swap3A_625 = vector.load %arg60[%swap3A_622, %swap3A_623, %swap3A_624] : memref<2x800x32xf32, #tpu.memory_space<vmem>>, vector<2x800x32xf32>
    tpu.vector_store %arg60[%swap3A_622, %swap3A_623, %swap3A_624], %reshape3A_621 {strides = array<i32>} : memref<2x800x32xf32, #tpu.memory_space<vmem>>, vector<2x800x32xf32>,
    %add3A_626 = arith.addf %reshape3A, %sub3A_373 : vector<200x32xf32>
    %add3A_627 = arith.addf %add3A_626, %sub3A_547 : vector<200x32xf32>
    %reshape3A_628 = vector.shape_cast %add3A_627 : vector<200x32xf32> to vector<2x100x32xf32>
    %swap3A_629 = arith.constant 0 : index
    %swap3A_630 = arith.constant 0 : index
    %swap3A_631 = arith.constant 0 : index
    %swap3A_632 = vector.load %arg61[%swap3A_629, %swap3A_630, %swap3A_631] : memref<2x100x32xf32, #tpu.memory_space<vmem>>, vector<2x100x32xf32>
    tpu.vector_store %arg61[%swap3A_629, %swap3A_630, %swap3A_631], %reshape3A_628 {strides = array<i32>} : memref<2x100x32xf32, #tpu.memory_space<vmem>>, vector<2x100x32xf32>,
    %add3A_633 = arith.addf %reshape3A_164, %sub3A_436 : vector<2x32xf32>
    %add3A_634 = arith.addf %add3A_633, %sub3A_614 : vector<2x32xf32>
    %reshape3A_635 = vector.shape_cast %add3A_634 : vector<2x32xf32> to vector<2x1x32xf32>
    %swap3A_636 = arith.constant 0 : index
    %swap3A_637 = arith.constant 0 : index
    %swap3A_638 = arith.constant 0 : index
    %swap3A_639 = vector.load %arg62[%swap3A_636, %swap3A_637, %swap3A_638] : memref<2x1x32xf32, #tpu.memory_space<vmem>>, vector<2x1x32xf32>
    tpu.vector_store %arg62[%swap3A_636, %swap3A_637, %swap3A_638], %reshape3A_635 {strides = array<i32>} : memref<2x1x32xf32, #tpu.memory_space<vmem>>, vector<2x1x32xf32>,
    return
  }
  func.func @transform_0(%arg0: i32) -> (i32, i32, i32) {
    %c0_i32 = arith.constant 0 : i32
    %c0_i32_0 = arith.constant 0 : i32
    %c0_i32_1 = arith.constant 0 : i32
    return %arg0, %c0_i32, %c0_i32_0 : i32, i32, i32
  }
  func.func @transform_1(%arg0: i32) -> (i32, i32, i32) {
    %c0_i32 = arith.constant 0 : i32
    %c0_i32_0 = arith.constant 0 : i32
    %c0_i32_1 = arith.constant 0 : i32
    return %arg0, %c0_i32, %c0_i32_0 : i32, i32, i32
  }
  func.func @transform_2(%arg0: i32) -> (i32, i32, i32) {
    %c0_i32 = arith.constant 0 : i32
    %c0_i32_0 = arith.constant 0 : i32
    %c0_i32_1 = arith.constant 0 : i32
    return %arg0, %c0_i32, %c0_i32_0 : i32, i32, i32
  }
  func.func @transform_3(%arg0: i32) -> (i32, i32, i32) {
    %c0_i32 = arith.constant 0 : i32
    %c0_i32_0 = arith.constant 0 : i32
    %c0_i32_1 = arith.constant 0 : i32
    return %arg0, %c0_i32, %c0_i32_0 : i32, i32, i32
  }
  func.func @transform_4(%arg0: i32) -> (i32, i32, i32) {
    %c0_i32 = arith.constant 0 : i32
    %c0_i32_0 = arith.constant 0 : i32
    %c0_i32_1 = arith.constant 0 : i32
    return %arg0, %c0_i32, %c0_i32_0 : i32, i32, i32
  }
  func.func @transform_5(%arg0: i32) -> (i32, i32, i32) {
    %c0_i32 = arith.constant 0 : i32
    %c0_i32_0 = arith.constant 0 : i32
    %c0_i32_1 = arith.constant 0 : i32
    return %arg0, %c0_i32, %c0_i32_0 : i32, i32, i32
  }
  func.func @transform_6(%arg0: i32) -> (i32, i32) {
    %c0_i32 = arith.constant 0 : i32
    %c0_i32_0 = arith.constant 0 : i32
    %c0_i32_1 = arith.constant 0 : i32
    return %c0_i32, %c0_i32_0 : i32, i32
  }
  func.func @transform_7(%arg0: i32) -> (i32, i32) {
    %c0_i32 = arith.constant 0 : i32
    %c0_i32_0 = arith.constant 0 : i32
    %c0_i32_1 = arith.constant 0 : i32
    return %c0_i32, %c0_i32_0 : i32, i32
  }
  func.func @transform_8(%arg0: i32) -> (i32, i32) {
    %c0_i32 = arith.constant 0 : i32
    %c0_i32_0 = arith.constant 0 : i32
    %c0_i32_1 = arith.constant 0 : i32
    return %c0_i32, %c0_i32_0 : i32, i32
  }
  func.func @transform_9(%arg0: i32) -> (i32, i32) {
    %c0_i32 = arith.constant 0 : i32
    %c0_i32_0 = arith.constant 0 : i32
    %c0_i32_1 = arith.constant 0 : i32
    return %c0_i32, %c0_i32_0 : i32, i32
  }
  func.func @transform_10(%arg0: i32) -> (i32, i32) {
    %c0_i32 = arith.constant 0 : i32
    %c0_i32_0 = arith.constant 0 : i32
    %c0_i32_1 = arith.constant 0 : i32
    return %c0_i32, %c0_i32_0 : i32, i32
  }
  func.func @transform_11(%arg0: i32) -> (i32, i32) {
    %c0_i32 = arith.constant 0 : i32
    %c0_i32_0 = arith.constant 0 : i32
    %c0_i32_1 = arith.constant 0 : i32
    return %c0_i32, %c0_i32_0 : i32, i32
  }
  func.func @transform_12(%arg0: i32) -> (i32, i32) {
    %c0_i32 = arith.constant 0 : i32
    %c0_i32_0 = arith.constant 0 : i32
    %c0_i32_1 = arith.constant 0 : i32
    return %c0_i32, %c0_i32_0 : i32, i32
  }
  func.func @transform_13(%arg0: i32) -> (i32, i32) {
    %c0_i32 = arith.constant 0 : i32
    %c0_i32_0 = arith.constant 0 : i32
    %c0_i32_1 = arith.constant 0 : i32
    return %c0_i32, %c0_i32_0 : i32, i32
  }
  func.func @transform_14(%arg0: i32) -> (i32, i32) {
    %c0_i32 = arith.constant 0 : i32
    %c0_i32_0 = arith.constant 0 : i32
    %c0_i32_1 = arith.constant 0 : i32
    return %c0_i32, %c0_i32_0 : i32, i32
  }
  func.func @transform_15(%arg0: i32) -> (i32, i32) {
    %c0_i32 = arith.constant 0 : i32
    %c0_i32_0 = arith.constant 0 : i32
    %c0_i32_1 = arith.constant 0 : i32
    return %c0_i32, %c0_i32_0 : i32, i32
  }
  func.func @transform_16(%arg0: i32) -> (i32, i32) {
    %c0_i32 = arith.constant 0 : i32
    %c0_i32_0 = arith.constant 0 : i32
    %c0_i32_1 = arith.constant 0 : i32
    return %c0_i32, %c0_i32_0 : i32, i32
  }
  func.func @transform_17(%arg0: i32) -> (i32, i32) {
    %c0_i32 = arith.constant 0 : i32
    %c0_i32_0 = arith.constant 0 : i32
    %c0_i32_1 = arith.constant 0 : i32
    return %c0_i32, %c0_i32_0 : i32, i32
  }
  func.func @transform_18(%arg0: i32) -> (i32, i32) {
    %c0_i32 = arith.constant 0 : i32
    %c0_i32_0 = arith.constant 0 : i32
    %c0_i32_1 = arith.constant 0 : i32
    return %c0_i32, %c0_i32_0 : i32, i32
  }
  func.func @transform_19(%arg0: i32) -> (i32, i32) {
    %c0_i32 = arith.constant 0 : i32
    %c0_i32_0 = arith.constant 0 : i32
    %c0_i32_1 = arith.constant 0 : i32
    return %c0_i32, %c0_i32_0 : i32, i32
  }
  func.func @transform_20(%arg0: i32) -> (i32, i32) {
    %c0_i32 = arith.constant 0 : i32
    %c0_i32_0 = arith.constant 0 : i32
    %c0_i32_1 = arith.constant 0 : i32
    return %c0_i32, %c0_i32_0 : i32, i32
  }
  func.func @transform_21(%arg0: i32) -> (i32, i32) {
    %c0_i32 = arith.constant 0 : i32
    %c0_i32_0 = arith.constant 0 : i32
    %c0_i32_1 = arith.constant 0 : i32
    return %c0_i32, %c0_i32_0 : i32, i32
  }
  func.func @transform_22(%arg0: i32) -> (i32, i32) {
    %c0_i32 = arith.constant 0 : i32
    %c0_i32_0 = arith.constant 0 : i32
    %c0_i32_1 = arith.constant 0 : i32
    return %c0_i32, %c0_i32_0 : i32, i32
  }
  func.func @transform_23(%arg0: i32) -> (i32, i32) {
    %c0_i32 = arith.constant 0 : i32
    %c0_i32_0 = arith.constant 0 : i32
    %c0_i32_1 = arith.constant 0 : i32
    return %c0_i32, %c0_i32_0 : i32, i32
  }
  func.func @transform_24(%arg0: i32) -> (i32, i32) {
    %c0_i32 = arith.constant 0 : i32
    %c0_i32_0 = arith.constant 0 : i32
    %c0_i32_1 = arith.constant 0 : i32
    return %c0_i32, %c0_i32_0 : i32, i32
  }
  func.func @transform_25(%arg0: i32) -> (i32, i32) {
    %c0_i32 = arith.constant 0 : i32
    %c0_i32_0 = arith.constant 0 : i32
    %c0_i32_1 = arith.constant 0 : i32
    return %c0_i32, %c0_i32_0 : i32, i32
  }
  func.func @transform_26(%arg0: i32) -> (i32, i32) {
    %c0_i32 = arith.constant 0 : i32
    %c0_i32_0 = arith.constant 0 : i32
    %c0_i32_1 = arith.constant 0 : i32
    return %c0_i32, %c0_i32_0 : i32, i32
  }
  func.func @transform_27(%arg0: i32) -> (i32, i32) {
    %c0_i32 = arith.constant 0 : i32
    %c0_i32_0 = arith.constant 0 : i32
    %c0_i32_1 = arith.constant 0 : i32
    return %c0_i32, %c0_i32_0 : i32, i32
  }
  func.func @transform_28(%arg0: i32) -> (i32, i32) {
    %c0_i32 = arith.constant 0 : i32
    %c0_i32_0 = arith.constant 0 : i32
    %c0_i32_1 = arith.constant 0 : i32
    return %c0_i32, %c0_i32_0 : i32, i32
  }
  func.func @transform_29(%arg0: i32) -> (i32, i32) {
    %c0_i32 = arith.constant 0 : i32
    %c0_i32_0 = arith.constant 0 : i32
    %c0_i32_1 = arith.constant 0 : i32
    return %c0_i32, %c0_i32_0 : i32, i32
  }
  func.func @transform_30(%arg0: i32) -> (i32, i32) {
    %c0_i32 = arith.constant 0 : i32
    %c0_i32_0 = arith.constant 0 : i32
    %c0_i32_1 = arith.constant 0 : i32
    return %c0_i32, %c0_i32_0 : i32, i32
  }
  func.func @transform_31(%arg0: i32) -> (i32, i32) {
    %c0_i32 = arith.constant 0 : i32
    %c0_i32_0 = arith.constant 0 : i32
    %c0_i32_1 = arith.constant 0 : i32
    return %c0_i32, %c0_i32_0 : i32, i32
  }
  func.func @transform_32(%arg0: i32) -> (i32, i32) {
    %c0_i32 = arith.constant 0 : i32
    %c0_i32_0 = arith.constant 0 : i32
    %c0_i32_1 = arith.constant 0 : i32
    return %c0_i32, %c0_i32_0 : i32, i32
  }
  func.func @transform_33(%arg0: i32) -> (i32, i32) {
    %c0_i32 = arith.constant 0 : i32
    %c0_i32_0 = arith.constant 0 : i32
    %c0_i32_1 = arith.constant 0 : i32
    return %c0_i32, %c0_i32_0 : i32, i32
  }
  func.func @transform_34(%arg0: i32) -> (i32, i32) {
    %c0_i32 = arith.constant 0 : i32
    %c0_i32_0 = arith.constant 0 : i32
    %c0_i32_1 = arith.constant 0 : i32
    return %c0_i32, %c0_i32_0 : i32, i32
  }
  func.func @transform_35(%arg0: i32) -> (i32, i32) {
    %c0_i32 = arith.constant 0 : i32
    %c0_i32_0 = arith.constant 0 : i32
    %c0_i32_1 = arith.constant 0 : i32
    return %c0_i32, %c0_i32_0 : i32, i32
  }
  func.func @transform_36(%arg0: i32) -> (i32, i32) {
    %c0_i32 = arith.constant 0 : i32
    %c0_i32_0 = arith.constant 0 : i32
    %c0_i32_1 = arith.constant 0 : i32
    return %c0_i32, %c0_i32_0 : i32, i32
  }
  func.func @transform_37(%arg0: i32) -> (i32, i32) {
    %c0_i32 = arith.constant 0 : i32
    %c0_i32_0 = arith.constant 0 : i32
    %c0_i32_1 = arith.constant 0 : i32
    return %c0_i32, %c0_i32_0 : i32, i32
  }
  func.func @transform_38(%arg0: i32) -> (i32, i32) {
    %c0_i32 = arith.constant 0 : i32
    %c0_i32_0 = arith.constant 0 : i32
    %c0_i32_1 = arith.constant 0 : i32
    return %c0_i32, %c0_i32_0 : i32, i32
  }
  func.func @transform_39(%arg0: i32) -> (i32, i32) {
    %c0_i32 = arith.constant 0 : i32
    %c0_i32_0 = arith.constant 0 : i32
    %c0_i32_1 = arith.constant 0 : i32
    return %c0_i32, %c0_i32_0 : i32, i32
  }
  func.func @transform_40(%arg0: i32) -> (i32, i32) {
    %c0_i32 = arith.constant 0 : i32
    %c0_i32_0 = arith.constant 0 : i32
    %c0_i32_1 = arith.constant 0 : i32
    return %c0_i32, %c0_i32_0 : i32, i32
  }
  func.func @transform_41(%arg0: i32) -> (i32, i32) {
    %c0_i32 = arith.constant 0 : i32
    %c0_i32_0 = arith.constant 0 : i32
    %c0_i32_1 = arith.constant 0 : i32
    return %c0_i32, %c0_i32_0 : i32, i32
  }
  func.func @transform_42(%arg0: i32) -> (i32, i32) {
    %c0_i32 = arith.constant 0 : i32
    %c0_i32_0 = arith.constant 0 : i32
    %c0_i32_1 = arith.constant 0 : i32
    return %c0_i32, %c0_i32_0 : i32, i32
  }
  func.func @transform_43(%arg0: i32) -> (i32, i32) {
    %c0_i32 = arith.constant 0 : i32
    %c0_i32_0 = arith.constant 0 : i32
    %c0_i32_1 = arith.constant 0 : i32
    return %c0_i32, %c0_i32_0 : i32, i32
  }
  func.func @transform_44(%arg0: i32) -> (i32, i32) {
    %c0_i32 = arith.constant 0 : i32
    %c0_i32_0 = arith.constant 0 : i32
    %c0_i32_1 = arith.constant 0 : i32
    return %c0_i32, %c0_i32_0 : i32, i32
  }
  func.func @transform_45(%arg0: i32) -> (i32, i32) {
    %c0_i32 = arith.constant 0 : i32
    %c0_i32_0 = arith.constant 0 : i32
    %c0_i32_1 = arith.constant 0 : i32
    return %c0_i32, %c0_i32_0 : i32, i32
  }
  func.func @transform_46(%arg0: i32) -> (i32, i32) {
    %c0_i32 = arith.constant 0 : i32
    %c0_i32_0 = arith.constant 0 : i32
    %c0_i32_1 = arith.constant 0 : i32
    return %c0_i32, %c0_i32_0 : i32, i32
  }
  func.func @transform_47(%arg0: i32) -> (i32, i32) {
    %c0_i32 = arith.constant 0 : i32
    %c0_i32_0 = arith.constant 0 : i32
    %c0_i32_1 = arith.constant 0 : i32
    return %c0_i32, %c0_i32_0 : i32, i32
  }
  func.func @transform_48(%arg0: i32) -> (i32, i32) {
    %c0_i32 = arith.constant 0 : i32
    %c0_i32_0 = arith.constant 0 : i32
    %c0_i32_1 = arith.constant 0 : i32
    return %c0_i32, %c0_i32_0 : i32, i32
  }
  func.func @transform_49(%arg0: i32) -> (i32, i32) {
    %c0_i32 = arith.constant 0 : i32
    %c0_i32_0 = arith.constant 0 : i32
    %c0_i32_1 = arith.constant 0 : i32
    return %c0_i32, %c0_i32_0 : i32, i32
  }
  func.func @transform_50(%arg0: i32) -> (i32, i32) {
    %c0_i32 = arith.constant 0 : i32
    %c0_i32_0 = arith.constant 0 : i32
    %c0_i32_1 = arith.constant 0 : i32
    return %c0_i32, %c0_i32_0 : i32, i32
  }
  func.func @transform_51(%arg0: i32) -> (i32, i32) {
    %c0_i32 = arith.constant 0 : i32
    %c0_i32_0 = arith.constant 0 : i32
    %c0_i32_1 = arith.constant 0 : i32
    return %c0_i32, %c0_i32_0 : i32, i32
  }
  func.func @transform_52(%arg0: i32) -> (i32, i32) {
    %c0_i32 = arith.constant 0 : i32
    %c0_i32_0 = arith.constant 0 : i32
    %c0_i32_1 = arith.constant 0 : i32
    return %c0_i32, %c0_i32_0 : i32, i32
  }
  func.func @transform_53(%arg0: i32) -> (i32, i32) {
    %c0_i32 = arith.constant 0 : i32
    %c0_i32_0 = arith.constant 0 : i32
    %c0_i32_1 = arith.constant 0 : i32
    return %c0_i32, %c0_i32_0 : i32, i32
  }
  func.func @transform_54(%arg0: i32) -> (i32, i32) {
    %c0_i32 = arith.constant 0 : i32
    %c0_i32_0 = arith.constant 0 : i32
    %c0_i32_1 = arith.constant 0 : i32
    return %c0_i32, %c0_i32_0 : i32, i32
  }
  func.func @transform_55(%arg0: i32) -> (i32, i32) {
    %c0_i32 = arith.constant 0 : i32
    %c0_i32_0 = arith.constant 0 : i32
    %c0_i32_1 = arith.constant 0 : i32
    return %c0_i32, %c0_i32_0 : i32, i32
  }
  func.func @transform_56(%arg0: i32) -> (i32, i32) {
    %c0_i32 = arith.constant 0 : i32
    %c0_i32_0 = arith.constant 0 : i32
    %c0_i32_1 = arith.constant 0 : i32
    return %c0_i32, %c0_i32_0 : i32, i32
  }
  func.func @transform_57(%arg0: i32) -> (i32, i32) {
    %c0_i32 = arith.constant 0 : i32
    %c0_i32_0 = arith.constant 0 : i32
    %c0_i32_1 = arith.constant 0 : i32
    return %c0_i32, %c0_i32_0 : i32, i32
  }
  func.func @transform_58(%arg0: i32) -> (i32, i32, i32) {
    %c0_i32 = arith.constant 0 : i32
    %c0_i32_0 = arith.constant 0 : i32
    %c0_i32_1 = arith.constant 0 : i32
    return %arg0, %c0_i32, %c0_i32_0 : i32, i32, i32
  }
  func.func @transform_59(%arg0: i32) -> (i32, i32, i32) {
    %c0_i32 = arith.constant 0 : i32
    %c0_i32_0 = arith.constant 0 : i32
    %c0_i32_1 = arith.constant 0 : i32
    return %arg0, %c0_i32, %c0_i32_0 : i32, i32, i32
  }
  func.func @transform_60(%arg0: i32) -> (i32, i32, i32) {
    %c0_i32 = arith.constant 0 : i32
    %c0_i32_0 = arith.constant 0 : i32
    %c0_i32_1 = arith.constant 0 : i32
    return %arg0, %c0_i32, %c0_i32_0 : i32, i32, i32
  }
  func.func @transform_61(%arg0: i32) -> (i32, i32, i32) {
    %c0_i32 = arith.constant 0 : i32
    %c0_i32_0 = arith.constant 0 : i32
    %c0_i32_1 = arith.constant 0 : i32
    return %arg0, %c0_i32, %c0_i32_0 : i32, i32, i32
  }
}

</mosaic_0001>

<sc_bundles>
// kernel: sparse-core-data-format-call.1.cloned.1.call-start
scs
called_computation.1_lowered:
.L_overlay_start_0:
0x0: {  	s2 =	sld [smem:$0x3FD9]  }
0x1: {  	s3 =	sld [smem:$0x3FFE];
	_ =	sdelay $0x1  }
0x2: {  	s1 =	srdreg.scid  }
0x3: {  	s0 =	sand.u32 $0x1, s1  }
0x4: {  	s16 =	sshll.u32 s0, $0xA;
	s2 =	sadd.s32 s3, s2  }
0x5: {  	s2 =	sadd.s32 s2, s16  }
0x6: {  	[smem:$0x3F8E] =	sst s2  }
0x7: {  	_ = 	snop  }
0x8: {  	s2 =	sld [smem:$0x3FD0];
	_ =	sdelay $0x2  }
0x9: {  	s17 =	simm.s32 $0xB;
	s4 =	simm.s32 $0x10  }
0xa: {  	[smem:s4], [sflag:s17] =	dma.local [hbm:s2], $0x1  }
0xb: {  	_ =	swait.eq [sflag:s17], $0x1  }
0xc: {  	[sflag:s17] =	ssyncset.done $0x0  }
0xd: {  	[sflag:s17] =	ssyncadd.s32 $0xFFFFFFFF  }
0xe: {  	s18 =	sld [smem:$0x10];
	(tm) =	ssettm $0x1  }
0xf: {  	s19 =	sld [smem:$0x3FFB];
	_ =	sdelay $0x3  }
0x10: {  	_ =	strace s19  }
0x11: {  	s2 =	sld [smem:$0x3FFC];
	_ =	sdelay $0x3  }
0x12: {  	_ =	strace s2  }
0x13: {  	s2 =	sld [smem:$0x3FFD];
	_ =	sdelay $0x3  }
0x14: {  	_ =	strace s2  }
0x15: {  	_ =	strace $0x8FFFFFFF  }
0x16: {  	s20 =	sld [smem:$0x3FDB];
	_ =	sdelay $0x1  }
0x17: {  	s21 =	simm.s32 $_scs_section_size  }
0x18: {  	s5 =	simm.s32 $_size__tile_overlayer_lowered;
	s6 =	simm.s32 $_tile_overlayer_lowered  }
0x19: {  	s7 =	simm.s32 $0x1BFF;
	s22 =	sshll.u32 s6, $0x1;
	s4 =	sadd.s32 s21, s20  }
0x1a: {  	s23 =	simm.s32 $0x0;
	s5 =	sshll.u32 s5, $0x1;
	s6 =	sadd.s32 s22, s4  }
0x1b: {  	[timem:s23], [sflag:s7] =	dma.local [hbm:s6], s5  }
0x1c: {  	_ =	swait.ge [sflag:s7], s5  }
0x1d: {  	s5 =	ssub.s32 $0x0, s5;
	[sflag:s7] =	ssyncset.done $0x0  }
0x1e: {  	[sflag:s7] =	ssyncadd.s32 s5;
	_ =	sdelay $0x1  }
0x1f: {  	s24 =	simm.s32 $0x1B8B  }
0x20: {  	_ =	swait.ge [sflag:s24], $0x1  }
0x21: {  	[sflag:s24] =	ssyncset.done $0x0  }
0x22: {  	[sflag:s24] =	ssyncadd.s32 $0xFFFFFFFF  }
0x23: {  	s5 =	sld [smem:$0x0]  }
0x24: {  	s6 =	sand.u32 $0xFFFFFFFE, s1  }
0x25: {  	p0 =	sne.s32 s1, s6  }
0x26: {  	s6 =	sshll.u32 @p0 s6, $0xE  }
0x27: {  	s6 =	sadd.s32 @p0 $0x11B8D, s6;
	s7 =	sshll.u32 @p0 s5, $0x11  }
0x28: {  	s6 =	sor.u32 @p0 s7, s6  }
0x29: {  	[sflag:s6] =	ssyncadd.remote.s32 @p0 $0x1;
	_ =	sdelay $0x1  }
0x2a: {  	s6 =	simm.s32 @p0 $0x1B8D  }
0x2b: {  	_ =	swait.eq @p0 [sflag:s6], $0x1  }
0x2c: {  	[sflag:s6] =	ssyncadd.s32 @p0 $0xFFFFFFFF  }
0x2d: {  	s7 =	sshll.u32 @!p0 s1, $0xE  }
0x2e: {  	s7 =	sor.u32 @!p0 $0x4000, s7;
	s6 =	simm.s32 @!p0 $0x1B8D  }
0x2f: {  	s5 =	sshll.u32 @!p0 s5, $0x11;
	s7 =	sadd.s32 @!p0 $0x11B8D, s7;
	_ =	swait.eq @!p0 [sflag:s6], $0x1  }
0x30: {  	s5 =	sor.u32 @!p0 s5, s7;
	[sflag:s6] =	ssyncadd.s32 @!p0 $0xFFFFFFFF  }
0x31: {  	s26 =	simm.s32 $0x1B8E;
	s25 =	sld [smem:$0x3FFE];
	[sflag:s5] =	ssyncadd.remote.s32 @!p0 $0x1  }
0x32: {  	s27 =	simm.s32 $execute0_lowered;
	[smem:$0x3FD2] =	sst s26  }
0x33: {  	s6 =	sshll.u32 s27, $0x1;
	_ =	strace $0x80000049;
	[dreg:$0x1] =	wrdreg $0xFFFFFFFF  }
0x34: {  	s28 =	simm.s32 $_size_execute0_lowered;
	s4 =	sadd.s32 s4, s6;
	[dreg:$0x0] =	wrdreg $0x0  }
0x35: {  	s6 =	sshll.u32 s28, $0x1;
	[dreg:$0x2] =	wrdreg s4  }
0x36: {  	[dreg:$0x3] =	wrdreg s6  }
0x37: {  	[dreg:$0x4] =	wrdreg $0xC0  }
0x38: {  	_ =	task [dreg:s23], $0x5FFFF  }
0x39: {  	[dreg:$0x1] =	wrdreg $0xFFFFFFFF  }
0x3a: {  	[dreg:$0x0] =	wrdreg $0x60  }
0x3b: {  	[dreg:$0x2] =	wrdreg s25  }
0x3c: {  	[dreg:$0x3] =	wrdreg s18  }
0x3d: {  	[dreg:$0x4] =	wrdreg $0xA  }
0x3e: {  	_ =	task.clear_ibuf [dreg:s23], $0x5FFFF;
	_ =	strace $0x90000049  }
0x3f: {  	s29 =	simm.s32 $0xA;
	_ =	strace $0x8000004B  }
0x40: {  	_ =	swait.ge [sflag:s29], $0x1  }
0x41: {  	[sflag:s29] =	ssyncadd.s32 $0xFFFFFFFF  }
0x42: {  	_ =	strace $0x9000004B  }
0x43: {  	_ =	sfence  }
0x44: {  	s30 =	sld [smem:$0x0];
	_ =	sdelay $0x2  }
0x45: {  	s31 =	sshll.u32 s1, $0xD;
	s1 =	sshrl.u32 s1, $0x2  }
0x46: {  	s4 =	sand.u32 $0x4000, s31;
	s1 =	sadd.s32 s1, s30  }
0x47: {  	s0 =	sor.u32 s4, s0;
	s1 =	sshll.u32 s1, $0x11  }
0x48: {  	s0 =	sor.u32 s1, s0  }
0x49: {  	s0 =	sadd.s32 $0x8F2B, s0  }
0x4a: {  	[sflag:s0] =	ssyncadd.remote.s32 $0x1  }
0x4b: {  	_ =	sfence.sel $0xFFFF  }
0x4c: {  	[dreg:$0x0] =	wrdreg $0xFFFFFFFF;
	(pc) =	sbr.abs _section_cstart, $3  }
0x4d: {  	[dreg:$0x1] =	wrdreg $0xFFFFFFFF  }
0x4e: {  	_ =	task.clear_ibuf [dreg:s23], $0x2FFFF;
	_ =	strace $0x9FFFFFFF  }
0x4f: {  	(tm) =	ssettm $0x7FFFFFFF  }
tec
execute0_lowered:
.L_overlay_start_1:
0x0: {  	(tag) =	ssettag $0x1  }
0x1: {  	s0 =	srdreg.scid  }
0x2: {  	s1 =	sshll.u32 s0, $0x4  }
0x3: {  	s4 =	rddreg [dreg:$0x0];
	s0 =	stileid.u32;
	s1 =	sand.u32 $0x10, s1  }
0x4: {  	s2 =	rddreg [dreg:$0x1];
	s7 =	simm.s32 $0x1;
	s1 =	sor.u32 s0, s1  }
0x5: {  	s8 =	simm.s32 $0x2;
	s11 =	simm.s32 $0x0;
	s3 =	sshll.u32 s1, $0x7  }
0x6: {  	s10 =	simm.s32 $0x0;
	s4 =	sadd.s32 $0x2B90400, s4;
	s6 =	ssub.s32 $0xC3500, s3  }
.Ltmp0:
0x7: {  	s1 =	rddreg [dreg:$0x2];
	s5 =	sand.u32 $0xF80, s6;
	(pc) =	sbr.rel .LBB1_1-.Ltmp0, $4  }
0x8: {  	_ =	strace $0x8000004A;
	s9 =	smov.u32 s3;
	p0 =	sne.s32 s5, $0x0  }
0x9: {  	s6 =	sshrl.u32 s6, $0xC;
	s5 =	simm.s32 $0x1;
	s7 =	simm.s32 @!p0 $0x0  }
0xa: {  	[sflag:s5] =	ssyncpa.u1 $0x0;
	p0 =	por $0x0, $0x0;
	s6 =	sadd.s32 s7, s6  }
0xb: {  	[sflag:s8] =	ssyncpa.u1 $0x0;
	s8 =	simm.s32 $0x61A800;
	s7 =	sadd.s32 $0x1, s6  }
.LBB1_4:
0xc: {  	s14 =	sshll.u32 s11, $0x3  }
0xd: {  	s14 =	sand.u32 $0xFFFFFC00, s14  }
0xe: {  	s15 =	sshrl.u32 s14, $0x8  }
0xf: {  	s15 =	smulhi.u32 $0x14F8B59, s15;
	_ =	sdelay $0x1  }
0x10: {  	s15 =	sshrl.u32 s15, $0x4  }
0x11: {  	s28 =	sand.u32 $0x7F, s11;
	s16 =	smul.u32 $0xC3500, s15  }
0x12: {  	s11 =	sor.u32 s28, s14  }
0x13: {  	s29 =	sand.u32 $0x1F, s15;
	s11 =	ssub.s32 s11, s16  }
0x14: {  	s14 =	smul.u32 $0x186A0, s29;
	s30 =	sshrl.u32 s11, $0x3;
	s11 =	sand.u32 $0x7, s11  }
0x15: {  	s15 =	sadd.s32 s2, s30;
	s11 =	sshll.u32 s11, $0x12  }
0x16: {  	[tilespmem:s13+$0x0 ss:$0x81] =	vst.msk $0xffff, v0;
	s31 =	sadd.s32 s14, s15;
	s11 =	sor.u32 $0x400, s11  }
0x17: {  	[hbm4b:s31+s11] =	stream.strided.scatter [tilespmem:s12], [sflag:$0x2], $0x1000, s8, s11, $0x20;
	[tilespmem:$0x4040] =	vst v63  }
.LBB1_5:
0x18: {  	s13 =	sadd.s32 $0x1000, s9  }
0x19: {  	p2 =	sgt.s32 s13, $0xC34FF  }
0x1a: {  	s13 =	smov.u32 @p2 s3;
	p2 =	sne.s32 s10, s7  }
.Ltmp1:
0x1b: {  	p1 =	slt.u32 s10, $0x2;
	(pc) =	sbr.rel @!p2 .LBB1_6-.Ltmp1, $4  }
0x1c: {  	s12 =	simm.s32 @!p1 $0x2  }
0x1d: {  	s14 =	sadd.s32 $0x1, s10;
	_ =	swait.ge @!p1 [sflag:s12], $0x1000  }
0x1e: {  	s11 =	smov.u32 s9;
	p0 =	por !p0, !p0;
	[sflag:s12] =	ssyncset.done @!p1 $0x0  }
0x1f: {  	s10 =	smov.u32 s14;
	s9 =	smov.u32 s13;
	[sflag:s12] =	ssyncadd.s32 @!p1 $0xFFFFF000  }
.LBB1_1:
0x20: {  	p1 =	sge.u32 s10, s6  }
0x21: {  	s12 =	sand.u32 @!p1 $0x1FFFFFF, s9  }
0x22: {  	s13 =	smulhi.u32 @!p1 $0x14F8B59, s12;
	_ =	sdelay $0x1  }
0x23: {  	s13 =	sshrl.u32 @!p1 s13, $0xC  }
0x24: {  	s13 =	smul.u32 @!p1 $0xC3500, s13;
	_ =	sdelay $0x1  }
0x25: {  	s31 =	sadd.s32 $0xFFFFFFFF, s10;
	s14 =	sxor.u32 @!p1 $0xFFFFFFFF, s10;
	s12 =	ssub.s32 @!p1 s12, s13  }
0x26: {  	s15 =	simm.s32 @!p1 $0x80;
	s14 =	sshll.u32 @!p1 s14, $0xC;
	s12 =	sshll.u32 @!p1 s12, $0x4  }
0x27: {  	s13 =	sand.u32 @!p1 $0x1000, s14;
	s14 =	simm.s32 @!p1 $0x20;
	s12 =	sadd.s32 @!p1 s4, s12  }
0x28: {  	[tilespmem:s13], [sflag:$0x1] =	stream.strided.gather @!p1 [hbm4b:s12+s14], $0x1000, s15, s14, $0x38;
	[tilespmem:$0x4040] =	vst v63  }
0x29: {  	p1 =	sge.u32 s31, s6  }
.Ltmp2:
0x2a: {  	_ = 	snop;
	(pc) =	sbr.rel @p1 .LBB1_5-.Ltmp2, $1  }
0x2b: {  	_ =	sdelay $0x3  }
0x2c: {  	s12 =	simm.s32 $0x1  }
0x2d: {  	_ =	swait.ge [sflag:s5], $0x1000;
	s12 =	simm.s32 @!p0 $0x0  }
0x2e: {  	[sflag:s5] =	ssyncset.done $0x0;
	s13 =	sshll.u32 s12, $0xC  }
0x2f: {  	[sflag:s5] =	ssyncadd.s32 $0xFFFFF000;
	s16 =	sor.u32 $0x10, s13  }
0x30: {  	s12 =	smul.u32 $0x4080, s12;
	v1 =	vld [tilespmem:s16+$0x0]  }
0x31: {  	s30 =	sand.u32 $0x1, s10;
	v0 =	vld [tilespmem:s16+$0xFFFFFFF0]  }
0x32: {  	s13 =	smul.u32 $0x4080, s30;
	s12 =	sshrl.u32 s12, $0x2  }
0x33: {  	s14 =	sor.u32 $0x2000, s12  }
0x34: {  	s31 =	sshrl.u32 s13, $0x2;
	s13 =	sadd.s32 $0x0, s14  }
0x35: {  	s15 =	simm.s32 $0x4;
	s16 =	sadd.s32 $0x20, s16;
	s12 =	sor.u32 $0x2000, s31;
	[tilespmem:s13+$0x810 ss:$0x81] =	vst.msk $0xffff, v1  }
.LBB1_3:
0x36: {  	v1 =	vld [tilespmem:s16+$0x0];
	p1 =	sne.s32 s15, $0x1FC;
	[tilespmem:s13+$0x0 ss:$0x81] =	vst.msk $0xffff, v0;
	s13 =	smov.u32 s15;
	s15 =	sadd.s32 $0x4, s15  }
.Ltmp3:
0x37: {  	v0 =	vld [tilespmem:s16+$0xFFFFFFF0];
	(pc) =	sbr.rel @p1 .LBB1_3-.Ltmp3, $4  }
0x38: {  	_ = 	snop  }
0x39: {  	s13 =	sshra.s32 s13, $0x2  }
0x3a: {  	s13 =	sadd.s32 s13, s14  }
0x3b: {  	s16 =	sadd.s32 $0x20, s16;
	[tilespmem:s13+$0x810 ss:$0x81] =	vst.msk $0xffff, v1  }
.Ltmp4:
0x3c: {  	_ = 	snop;
	(pc) =	sbr.rel .LBB1_4-.Ltmp4, $1  }
0x3d: {  	_ =	sdelay $0x3  }
.LBB1_6:
0x3e: {  	_ =	sfence.sel $0x180000  }
0x3f: {  	s2 =	simm.s32 $0x1;
	[bflag:$0x0] =	sbarrier.arrive $0xFFFF  }
0x40: {  	s31 =	simm.s32 $0x2;
	[sflag:s2] =	ssyncpa.u1 $0x1  }
0x41: {  	[sflag:s31] =	ssyncpa.u1 $0x1  }
0x42: {  	p0 =	sne.s32 s0, $0x0;
	_ =	strace $0x9000004A  }
0x43: {  	s0 =	sadd.s32 @!p0 $0x100000, s1;
	[bflag:$0x2] =	sbarrier.arrive $0xFFFF  }
0x44: {  	[sflag:s0] =	ssyncadd.tile.s32 @!p0 $0x1;
	_ =	shalt  }
.Lfunc_end1:
_tile_overlayer_lowered:
.L_overlay_start_2:
0x45: {  	(tag) =	ssettag $0x2  }
0x46: {  	s0 =	rddreg [dreg:$0x0];
	s2 =	stileid.u32  }
0x47: {  	s1 =	rddreg [dreg:$0x1];
	p0 =	sne.s32 s2, $0x0  }
0x48: {  	s3 =	rddreg [dreg:$0x2];
	[bflag:$0x3] =	sbarrier.arrive $0xFFFF;
	s2 =	simm.s32 @!p0 $0x1C01  }
0x49: {  	[timem:s3], [sflag:s2] =	dma.local @!p0 [hbm:s0], s1  }
0x4a: {  	s0 =	simm.s32 @!p0 $0x1  }
0x4b: {  	_ =	swait.ge @!p0 [sflag:s0], s1  }
0x4c: {  	s1 =	ssub.s32 @!p0 $0x0, s1;
	[sflag:s0] =	ssyncset.done @!p0 $0x0  }
0x4d: {  	[sflag:s0] =	ssyncadd.s32 @!p0 s1  }
0x4e: {  	[bflag:$0x3] =	sbarrier.arrive $0xFFFF  }
0x4f: {  	_ =	shalt  }

// kernel: sparse-core-data-format-call.cloned.1.call-start
scs
called_computation_lowered:
.L_overlay_start_0:
0x0: {  	s2 =	sld [smem:$0x3FD9]  }
0x1: {  	s3 =	sld [smem:$0x3FFE];
	_ =	sdelay $0x1  }
0x2: {  	s1 =	srdreg.scid  }
0x3: {  	s0 =	sand.u32 $0x1, s1  }
0x4: {  	s15 =	sshll.u32 s0, $0xA;
	s2 =	sadd.s32 s3, s2  }
0x5: {  	s2 =	sadd.s32 s2, s15  }
0x6: {  	[smem:$0x3F8E] =	sst s2  }
0x7: {  	_ = 	snop  }
0x8: {  	s2 =	sld [smem:$0x3FD0];
	_ =	sdelay $0x2  }
0x9: {  	s16 =	simm.s32 $0xB;
	s4 =	simm.s32 $0x10  }
0xa: {  	[smem:s4], [sflag:s16] =	dma.local [hbm:s2], $0x1  }
0xb: {  	_ =	swait.eq [sflag:s16], $0x1  }
0xc: {  	[sflag:s16] =	ssyncset.done $0x0  }
0xd: {  	[sflag:s16] =	ssyncadd.s32 $0xFFFFFFFF  }
0xe: {  	s17 =	sld [smem:$0x11];
	(tm) =	ssettm $0x1  }
0xf: {  	s18 =	sld [smem:$0x3FFB];
	_ =	sdelay $0x3  }
0x10: {  	_ =	strace s18  }
0x11: {  	s3 =	sld [smem:$0x3FFC];
	_ =	sdelay $0x3  }
0x12: {  	_ =	strace s3  }
0x13: {  	s3 =	sld [smem:$0x3FFD];
	_ =	sdelay $0x3  }
0x14: {  	_ =	strace s3  }
0x15: {  	_ =	strace $0x8FFFFFFF  }
0x16: {  	s19 =	sld [smem:$0x3FDB];
	_ =	sdelay $0x1  }
0x17: {  	s20 =	simm.s32 $_scs_section_size  }
0x18: {  	s5 =	simm.s32 $_size__tile_overlayer_lowered;
	s6 =	simm.s32 $_tile_overlayer_lowered  }
0x19: {  	s23 =	simm.s32 $0x1BFF;
	s22 =	sshll.u32 s6, $0x1;
	s3 =	sadd.s32 s20, s19  }
0x1a: {  	s7 =	simm.s32 $0x0;
	s21 =	sshll.u32 s5, $0x1;
	s5 =	sadd.s32 s22, s3  }
0x1b: {  	[timem:s7], [sflag:s23] =	dma.local [hbm:s5], s21  }
0x1c: {  	_ =	swait.ge [sflag:s23], s21  }
0x1d: {  	s4 =	ssub.s32 $0x0, s21;
	[sflag:s23] =	ssyncset.done $0x0  }
0x1e: {  	[sflag:s23] =	ssyncadd.s32 s4;
	_ =	sdelay $0x1  }
0x1f: {  	s24 =	simm.s32 $0x1B8B  }
0x20: {  	_ =	swait.ge [sflag:s24], $0x1  }
0x21: {  	[sflag:s24] =	ssyncset.done $0x0  }
0x22: {  	s26 =	simm.s32 $0x1B8E;
	s25 =	sld [smem:$0x3FFE];
	[sflag:s24] =	ssyncadd.s32 $0xFFFFFFFF  }
0x23: {  	s27 =	simm.s32 $execute0_lowered;
	[smem:$0x3FD2] =	sst s26  }
0x24: {  	s5 =	sshll.u32 s27, $0x1;
	_ =	strace $0x80000046;
	[dreg:$0x1] =	wrdreg $0xFFFFFFFF  }
0x25: {  	s28 =	simm.s32 $_size_execute0_lowered;
	s3 =	sadd.s32 s3, s5;
	[dreg:$0x0] =	wrdreg $0x0  }
0x26: {  	s5 =	sshll.u32 s28, $0x1;
	[dreg:$0x2] =	wrdreg s3  }
0x27: {  	[dreg:$0x3] =	wrdreg s5  }
0x28: {  	[dreg:$0x4] =	wrdreg $0xC0  }
0x29: {  	_ =	task [dreg:s7], $0x5FFFF  }
0x2a: {  	[dreg:$0x1] =	wrdreg $0xFFFFFFFF  }
0x2b: {  	[dreg:$0x0] =	wrdreg $0x60  }
0x2c: {  	[dreg:$0x2] =	wrdreg s25  }
0x2d: {  	[dreg:$0x3] =	wrdreg s17  }
0x2e: {  	[dreg:$0x4] =	wrdreg $0x9  }
0x2f: {  	_ =	task.clear_ibuf [dreg:s7], $0x5FFFF;
	_ =	strace $0x90000046  }
0x30: {  	s29 =	simm.s32 $0x9;
	_ =	strace $0x80000048  }
0x31: {  	_ =	swait.ge [sflag:s29], $0x1  }
0x32: {  	[sflag:s29] =	ssyncadd.s32 $0xFFFFFFFF  }
0x33: {  	_ =	strace $0x90000048  }
0x34: {  	_ =	sfence  }
0x35: {  	s30 =	sld [smem:$0x0];
	_ =	sdelay $0x2  }
0x36: {  	s31 =	sshll.u32 s1, $0xD;
	s1 =	sshrl.u32 s1, $0x2  }
0x37: {  	s3 =	sand.u32 $0x4000, s31;
	s1 =	sadd.s32 s1, s30  }
0x38: {  	s0 =	sor.u32 s3, s0;
	s1 =	sshll.u32 s1, $0x11  }
0x39: {  	s0 =	sor.u32 s1, s0  }
0x3a: {  	s0 =	sadd.s32 $0x8F2B, s0  }
0x3b: {  	[sflag:s0] =	ssyncadd.remote.s32 $0x1  }
0x3c: {  	_ =	sfence.sel $0xFFFF  }
0x3d: {  	[dreg:$0x0] =	wrdreg $0xFFFFFFFF;
	(pc) =	sbr.abs _section_cstart, $3  }
0x3e: {  	[dreg:$0x1] =	wrdreg $0xFFFFFFFF  }
0x3f: {  	_ =	task.clear_ibuf [dreg:s7], $0x2FFFF;
	_ =	strace $0x9FFFFFFF  }
0x40: {  	(tm) =	ssettm $0x7FFFFFFF  }
0x41: {  	_ =	shalt  }
tec
execute0_lowered:
.L_overlay_start_1:
0x0: {  	(tag) =	ssettag $0x1  }
0x1: {  	s0 =	srdreg.scid  }
0x2: {  	s1 =	sshll.u32 s0, $0x4  }
0x3: {  	s4 =	rddreg [dreg:$0x0];
	s0 =	stileid.u32;
	s1 =	sand.u32 $0x10, s1  }
0x4: {  	s2 =	rddreg [dreg:$0x1];
	s7 =	simm.s32 $0x1;
	s1 =	sor.u32 s0, s1  }
0x5: {  	s8 =	simm.s32 $0x2;
	s11 =	simm.s32 $0x0;
	s3 =	sshll.u32 s1, $0x7  }
0x6: {  	s10 =	simm.s32 $0x0;
	s4 =	sadd.s32 $0x2575C00, s4;
	s6 =	ssub.s32 $0x61A80, s3  }
.Ltmp0:
0x7: {  	s1 =	rddreg [dreg:$0x2];
	s5 =	sand.u32 $0xF80, s6;
	(pc) =	sbr.rel .LBB1_1-.Ltmp0, $4  }
0x8: {  	_ =	strace $0x80000047;
	s9 =	smov.u32 s3;
	p0 =	sne.s32 s5, $0x0  }
0x9: {  	s6 =	sshrl.u32 s6, $0xC;
	s5 =	simm.s32 $0x1;
	s7 =	simm.s32 @!p0 $0x0  }
0xa: {  	[sflag:s5] =	ssyncpa.u1 $0x0;
	p0 =	por $0x0, $0x0;
	s6 =	sadd.s32 s7, s6  }
0xb: {  	[sflag:s8] =	ssyncpa.u1 $0x0;
	s8 =	simm.s32 $0x30D400;
	s7 =	sadd.s32 $0x1, s6  }
.LBB1_4:
0xc: {  	s14 =	sshll.u32 s11, $0x3  }
0xd: {  	s14 =	sand.u32 $0xFFFFFC00, s14  }
0xe: {  	s15 =	sshrl.u32 s14, $0x7  }
0xf: {  	s15 =	smulhi.u32 $0x14F8B59, s15;
	_ =	sdelay $0x1  }
0x10: {  	s15 =	sshrl.u32 s15, $0x4  }
0x11: {  	s28 =	sand.u32 $0x7F, s11;
	s16 =	smul.u32 $0x61A80, s15  }
0x12: {  	s11 =	sor.u32 s28, s14  }
0x13: {  	s29 =	sand.u32 $0x1F, s15;
	s11 =	ssub.s32 s11, s16  }
0x14: {  	s14 =	smul.u32 $0xC350, s29;
	s30 =	sshrl.u32 s11, $0x3;
	s11 =	sand.u32 $0x7, s11  }
0x15: {  	s15 =	sadd.s32 s2, s30;
	s11 =	sshll.u32 s11, $0x12  }
0x16: {  	[tilespmem:s13+$0x0 ss:$0x81] =	vst.msk $0xffff, v0;
	s31 =	sadd.s32 s14, s15;
	s11 =	sor.u32 $0x400, s11  }
0x17: {  	[hbm4b:s31+s11] =	stream.strided.scatter [tilespmem:s12], [sflag:$0x2], $0x1000, s8, s11, $0x20;
	[tilespmem:$0x4040] =	vst v63  }
.LBB1_5:
0x18: {  	s13 =	sadd.s32 $0x1000, s9  }
0x19: {  	p2 =	sgt.s32 s13, $0x61A7F  }
0x1a: {  	s13 =	smov.u32 @p2 s3;
	p2 =	sne.s32 s10, s7  }
.Ltmp1:
0x1b: {  	p1 =	slt.u32 s10, $0x2;
	(pc) =	sbr.rel @!p2 .LBB1_6-.Ltmp1, $4  }
0x1c: {  	s12 =	simm.s32 @!p1 $0x2  }
0x1d: {  	s14 =	sadd.s32 $0x1, s10;
	_ =	swait.ge @!p1 [sflag:s12], $0x1000  }
0x1e: {  	s11 =	smov.u32 s9;
	p0 =	por !p0, !p0;
	[sflag:s12] =	ssyncset.done @!p1 $0x0  }
0x1f: {  	s10 =	smov.u32 s14;
	s9 =	smov.u32 s13;
	[sflag:s12] =	ssyncadd.s32 @!p1 $0xFFFFF000  }
.LBB1_1:
0x20: {  	p1 =	sge.u32 s10, s6  }
0x21: {  	s12 =	sand.u32 @!p1 $0x1FFFFFF, s9  }
0x22: {  	s13 =	smulhi.u32 @!p1 $0x14F8B59, s12;
	_ =	sdelay $0x1  }
0x23: {  	s13 =	sshrl.u32 @!p1 s13, $0xB  }
0x24: {  	s13 =	smul.u32 @!p1 $0x61A80, s13;
	_ =	sdelay $0x1  }
0x25: {  	s31 =	sadd.s32 $0xFFFFFFFF, s10;
	s14 =	sxor.u32 @!p1 $0xFFFFFFFF, s10;
	s12 =	ssub.s32 @!p1 s12, s13  }
0x26: {  	s15 =	simm.s32 @!p1 $0x80;
	s14 =	sshll.u32 @!p1 s14, $0xC;
	s12 =	sshll.u32 @!p1 s12, $0x4  }
0x27: {  	s13 =	sand.u32 @!p1 $0x1000, s14;
	s14 =	simm.s32 @!p1 $0x20;
	s12 =	sadd.s32 @!p1 s4, s12  }
0x28: {  	[tilespmem:s13], [sflag:$0x1] =	stream.strided.gather @!p1 [hbm4b:s12+s14], $0x1000, s15, s14, $0x38;
	[tilespmem:$0x4040] =	vst v63  }
0x29: {  	p1 =	sge.u32 s31, s6  }
.Ltmp2:
0x2a: {  	_ = 	snop;
	(pc) =	sbr.rel @p1 .LBB1_5-.Ltmp2, $1  }
0x2b: {  	_ =	sdelay $0x3  }
0x2c: {  	s12 =	simm.s32 $0x1  }
0x2d: {  	_ =	swait.ge [sflag:s5], $0x1000;
	s12 =	simm.s32 @!p0 $0x0  }
0x2e: {  	[sflag:s5] =	ssyncset.done $0x0;
	s13 =	sshll.u32 s12, $0xC  }
0x2f: {  	[sflag:s5] =	ssyncadd.s32 $0xFFFFF000;
	s16 =	sor.u32 $0x10, s13  }
0x30: {  	s12 =	smul.u32 $0x4080, s12;
	v1 =	vld [tilespmem:s16+$0x0]  }
0x31: {  	s30 =	sand.u32 $0x1, s10;
	v0 =	vld [tilespmem:s16+$0xFFFFFFF0]  }
0x32: {  	s13 =	smul.u32 $0x4080, s30;
	s12 =	sshrl.u32 s12, $0x2  }
0x33: {  	s14 =	sor.u32 $0x2000, s12  }
0x34: {  	s31 =	sshrl.u32 s13, $0x2;
	s13 =	sadd.s32 $0x0, s14  }
0x35: {  	s15 =	simm.s32 $0x4;
	s16 =	sadd.s32 $0x20, s16;
	s12 =	sor.u32 $0x2000, s31;
	[tilespmem:s13+$0x810 ss:$0x81] =	vst.msk $0xffff, v1  }
.LBB1_3:
0x36: {  	v1 =	vld [tilespmem:s16+$0x0];
	p1 =	sne.s32 s15, $0x1FC;
	[tilespmem:s13+$0x0 ss:$0x81] =	vst.msk $0xffff, v0;
	s13 =	smov.u32 s15;
	s15 =	sadd.s32 $0x4, s15  }
.Ltmp3:
0x37: {  	v0 =	vld [tilespmem:s16+$0xFFFFFFF0];
	(pc) =	sbr.rel @p1 .LBB1_3-.Ltmp3, $4  }
0x38: {  	_ = 	snop  }
0x39: {  	s13 =	sshra.s32 s13, $0x2  }
0x3a: {  	s13 =	sadd.s32 s13, s14  }
0x3b: {  	s16 =	sadd.s32 $0x20, s16;
	[tilespmem:s13+$0x810 ss:$0x81] =	vst.msk $0xffff, v1  }
.Ltmp4:
0x3c: {  	_ = 	snop;
	(pc) =	sbr.rel .LBB1_4-.Ltmp4, $1  }
0x3d: {  	_ =	sdelay $0x3  }
.LBB1_6:
0x3e: {  	_ =	sfence.sel $0x180000  }
0x3f: {  	s2 =	simm.s32 $0x1;
	[bflag:$0x0] =	sbarrier.arrive $0xFFFF  }
0x40: {  	s31 =	simm.s32 $0x2;
	[sflag:s2] =	ssyncpa.u1 $0x1  }
0x41: {  	[sflag:s31] =	ssyncpa.u1 $0x1  }
0x42: {  	p0 =	sne.s32 s0, $0x0;
	_ =	strace $0x90000047  }
0x43: {  	s0 =	sadd.s32 @!p0 $0x100000, s1;
	[bflag:$0x2] =	sbarrier.arrive $0xFFFF  }
0x44: {  	[sflag:s0] =	ssyncadd.tile.s32 @!p0 $0x1;
	_ =	shalt  }
.Lfunc_end1:
_tile_overlayer_lowered:
.L_overlay_start_2:
0x45: {  	(tag) =	ssettag $0x2  }
0x46: {  	s0 =	rddreg [dreg:$0x0];
	s2 =	stileid.u32  }
0x47: {  	s1 =	rddreg [dreg:$0x1];
	p0 =	sne.s32 s2, $0x0  }
0x48: {  	s3 =	rddreg [dreg:$0x2];
	[bflag:$0x3] =	sbarrier.arrive $0xFFFF;
	s2 =	simm.s32 @!p0 $0x1C01  }
0x49: {  	[timem:s3], [sflag:s2] =	dma.local @!p0 [hbm:s0], s1  }
0x4a: {  	s0 =	simm.s32 @!p0 $0x1  }
0x4b: {  	_ =	swait.ge @!p0 [sflag:s0], s1  }
0x4c: {  	s1 =	ssub.s32 @!p0 $0x0, s1;
	[sflag:s0] =	ssyncset.done @!p0 $0x0  }
0x4d: {  	[sflag:s0] =	ssyncadd.s32 @!p0 s1  }
0x4e: {  	[bflag:$0x3] =	sbarrier.arrive $0xFFFF  }
0x4f: {  	_ =	shalt  }

</sc_bundles>
